<compile_context>
chip_gen: v7x
topology: tpu7x:2x2x1
jax: 0.10.2.dev20260603
libtpu: 0.0.44.dev20260713+nightly
codegen_flags: <defaults>
</compile_context>

<pallas_src>
import functools

import jax
import jax.numpy as jnp
import numpy as np
from jax import lax
from jax.experimental import pallas as pl
from jax.experimental.pallas import tpu as pltpu
from jax.experimental.pallas import tpu_sc as plsc

F32 = jnp.float32
TW = 128


def _ln(x, g, b, eps=1e-5):
    m = jnp.mean(x, axis=-1, keepdims=True)
    v = jnp.mean((x - m) * (x - m), axis=-1, keepdims=True)
    return (x - m) * lax.rsqrt(v + eps) * g + b


def _proj_body(q_ref, k_ref, v_ref, xyz_ref, Wqk_ref, bqk_ref, M2_ref,
               g2_ref, bt2_ref, Wv128_ref, WW1x_ref, X3_ref, WW1q_ref,
               bias128_ref, tab_ref, q2_ref):
    eps = 1e-5
    bf = jnp.bfloat16
    qk = jnp.concatenate([q_ref[:], k_ref[:]], axis=1)
    qkp = _dot(qk.astype(bf), Wqk_ref[:]) + bqk_ref[:]
    mb = _dot(qkp.astype(bf), M2_ref[:])
    m2b = _dot((qkp * qkp).astype(bf), M2_ref[:])
    xn = (qkp - mb) * lax.rsqrt(m2b - mb * mb + eps)
    qkn = jax.nn.relu(xn * g2_ref[:] + bt2_ref[:])
    tab_ref[:] = (_dot(v_ref[:].astype(bf), Wv128_ref[:])
                  + _dot(qkn.astype(bf), WW1x_ref[:])
                  + _dot(xyz_ref[:], X3_ref[:]) + bias128_ref[:])
    q2_ref[:] = _dot(qkn.astype(bf), WW1q_ref[:])


def _run_proj(q, k, v, xyz, Wq, bq, gq, btq, Wk, bk, gk, btk, Wv, bv, Ww1):
    N, C = q.shape
    G = Ww1.shape[1]
    BA = 1000
    bf = jnp.bfloat16
    cc = lambda *xs: jnp.concatenate([x.reshape(1, -1) for x in xs], axis=1)
    Wqk = jax.scipy.linalg.block_diag(Wq, Wk).astype(bf)
    bqk = cc(bq, bk)
    M2 = np.kron(np.eye(2, dtype=np.float32),
                 np.full((C, C), 1.0 / C, np.float32)).astype(bf)
    g2, bt2 = cc(gq, gk), cc(btq, btk)
    Wv128 = jnp.concatenate(
        [Wv, jnp.zeros((C, TW - C), F32)], axis=1).astype(bf)
    WW1x = jnp.zeros((TW, TW), F32).at[C:2 * C, C:C + G].set(Ww1).astype(bf)
    X3 = np.zeros((3, TW), np.float32)
    X3[:, C + G:C + G + 3] = np.eye(3)
    WW1q = jnp.zeros((TW, G), F32).at[0:C].set(Ww1).astype(bf)
    bias128 = jnp.concatenate([bv, jnp.zeros((TW - C,), F32)]).reshape(1, -1)
    full2 = lambda a: pl.BlockSpec(a.shape, lambda i: (0, 0))
    consts = [Wqk, bqk, M2, g2, bt2, Wv128, WW1x, X3, WW1q, bias128]
    return pl.pallas_call(
        _proj_body,
        grid=(N // BA,),
        in_specs=[
            pl.BlockSpec((BA, C), lambda i: (i, 0)),
            pl.BlockSpec((BA, C), lambda i: (i, 0)),
            pl.BlockSpec((BA, C), lambda i: (i, 0)),
            pl.BlockSpec((BA, 3), lambda i: (i, 0)),
        ] + [full2(c) for c in consts],
        out_specs=[
            pl.BlockSpec((BA, TW), lambda i: (i, 0)),
            pl.BlockSpec((BA, G), lambda i: (i, 0)),
        ],
        out_shape=[
            jax.ShapeDtypeStruct((N, TW), F32),
            jax.ShapeDtypeStruct((N, G), F32),
        ],
    )(q, k, v, xyz, *consts)


def _make_gather(NIDX):
    info = plsc.get_sparse_core_info()
    NC, NSUB = info.num_cores, info.num_subcores
    NW = NC * NSUB
    assert NIDX % NW == 0
    per_w = NIDX // NW
    CH = 1000
    assert per_w % CH == 0 and CH % 8 == 0
    n_ch = per_w // CH
    mesh = plsc.VectorSubcoreMesh(core_axis_name="c", subcore_axis_name="s")

    @functools.partial(
        pl.kernel, mesh=mesh,
        out_type=jax.ShapeDtypeStruct((NIDX, TW), F32),
        scratch_types=[
            pltpu.VMEM((CH,), jnp.int32),
            pltpu.VMEM((CH, TW), F32),
            pltpu.SemaphoreType.DMA,
        ],
    )
    def gather_k(tab_hbm, idx_hbm, otab, idx_v, rows_v, sem):
        wid = lax.axis_index("s") * NC + lax.axis_index("c")
        base0 = wid * per_w

        def body(j, carry):
            base = base0 + j * CH
            pltpu.sync_copy(idx_hbm.at[pl.ds(base, CH)], idx_v)
            pltpu.async_copy(tab_hbm.at[idx_v], rows_v, sem).wait()
            pltpu.sync_copy(rows_v, otab.at[pl.ds(base, CH)])
            return carry

        lax.fori_loop(0, n_ch, body, 0)

    return gather_k


def _dot(a, b):
    return jnp.dot(a, b, preferred_element_type=F32)


def _attn_body(gtab_ref, q2_ref, xyz_ref, idx_ref,
               Xsel_ref, P3_ref, W1mid_ref, bp1t_ref, M64p_ref, gpt_ref,
               btpt_ref, W2f_ref, ct_ref, K2sel_ref, P8_ref, Mseg_ref,
               gwt_ref, btwt_ref, Ww2b_ref, bw2t_ref, Sg_ref, E2_ref,
               EB2_ref, SB_ref, out_ref, *, B, NS, C, G):
    eps = 1e-5
    bf = jnp.bfloat16
    gtabB = gtab_ref[:].reshape(B, NS * TW)
    pos = _dot(gtabB, Xsel_ref[:]) - _dot(xyz_ref[:], P3_ref[:])
    hpre = _dot(pos, W1mid_ref[:]) + bp1t_ref[:]
    h8p = hpre.reshape(B * G, TW)
    mb = _dot(h8p.astype(bf), M64p_ref[:])
    m2b = _dot((h8p * h8p).astype(bf), M64p_ref[:])
    xn = (h8p - mb) * lax.rsqrt(m2b - mb * mb + eps)
    h8 = jax.nn.relu(xn * gpt_ref[:] + btpt_ref[:])
    pp = _dot(h8.astype(bf), W2f_ref[:])
    A = gtabB + pp.reshape(B, NS * TW) + ct_ref[:]
    wpre = _dot(A.astype(bf), K2sel_ref[:]) - _dot(q2_ref[:], P8_ref[:])
    mbw = _dot(wpre, Mseg_ref[:])
    m2bw = _dot(wpre * wpre, Mseg_ref[:])
    tn = (wpre - mbw) * lax.rsqrt(m2bw - mbw * mbw + eps)
    t = jax.nn.relu(tn * gwt_ref[:] + btwt_ref[:])
    w = _dot(t, Ww2b_ref[:]) + bw2t_ref[:]
    m = jnp.max(w, axis=-1, keepdims=True)
    e = jnp.exp(w - m)
    w3 = e / _dot(e, Sg_ref[:])
    maskf = jnp.sign(idx_ref[:] + 1).astype(F32)
    w3 = w3 * _dot(maskf, E2_ref[:])
    wfull = _dot(w3.astype(bf), EB2_ref[:])
    out_ref[:] = _dot((wfull * A).astype(bf), SB_ref[:])


def _run_attn(gtab, q2, xyz, idx, consts, N, NS, C, G):
    BC = 1000
    R = BC * NS
    fullb = lambda a: pl.BlockSpec(a.shape, lambda i: tuple(0 for _ in a.shape))
    body = functools.partial(_attn_body, B=BC, NS=NS, C=C, G=G)
    return pl.pallas_call(
        body,
        grid=(N // BC,),
        in_specs=[
            pl.BlockSpec((R, TW), lambda i: (i, 0)),
            pl.BlockSpec((BC, G), lambda i: (i, 0)),
            pl.BlockSpec((BC, 3), lambda i: (i, 0)),
            pl.BlockSpec((BC, NS), lambda i: (i, 0)),
        ] + [fullb(c) for c in consts],
        out_specs=pl.BlockSpec((BC, C), lambda i: (i, 0)),
        out_shape=jax.ShapeDtypeStruct((N, C), F32),
    )(gtab, q2, xyz, idx, *consts)


def kernel(q, k, v, xyz, reference_index, Wq, bq, gq, btq, Wk, bk, gk, btk,
           Wv, bv, Wp1, bp1, gp, btp, Wp2, bp2, Ww1, bw1, gw, btw, Ww2, bw2):
    N, C = q.shape
    NS = reference_index.shape[1]
    G = Ww1.shape[1]

    r2 = lambda a: a.reshape(1, -1)
    tile16 = lambda a: jnp.tile(a.reshape(1, -1), (1, NS))
    eyeNS = np.eye(NS, dtype=np.float32)
    cw = bp2 @ Ww1 + bw1
    Wp2c = jnp.concatenate(
        [Wp2, Wp2 @ Ww1, jnp.zeros((C, TW - C - G), F32)], axis=1)
    c128 = jnp.concatenate([bp2, cw, jnp.zeros((TW - C - G,), F32)])
    bf = jnp.bfloat16
    Xblk = np.zeros((TW, G), np.float32)
    Xblk[C + G:C + G + 3, 0:3] = np.eye(3)
    Xsel = np.kron(eyeNS, Xblk)
    P3 = np.tile(np.hstack([np.eye(3, dtype=np.float32),
                            np.zeros((3, G - 3), np.float32)]), (1, NS))
    Kblk = np.zeros((TW, G), np.float32)
    Kblk[C:C + G] = np.eye(G)
    K2sel = np.kron(eyeNS, Kblk).astype(bf)
    M64p = np.kron(np.eye(2, dtype=np.float32),
                   np.full((C, C), 1.0 / C, np.float32)).astype(bf)
    Mseg = np.kron(eyeNS, np.full((G, G), 1.0 / G, np.float32))
    P8 = np.tile(np.eye(G, dtype=np.float32), (1, NS))
    Sg = np.kron(np.ones((NS, NS), np.float32), np.eye(G, dtype=np.float32))
    E2 = np.kron(eyeNS, np.ones((1, G), np.float32))
    EBblk = np.zeros((G, TW), np.float32)
    for g in range(G):
        EBblk[g, g * (C // G):(g + 1) * (C // G)] = 1.0
    EB2 = np.kron(eyeNS, EBblk).astype(bf)
    SB = np.tile(np.vstack([np.eye(C, dtype=np.float32),
                            np.zeros((TW - C, C), np.float32)]),
                 (NS, 1)).astype(bf)
    W1j = jnp.zeros((G, C), F32).at[0:3].set(Wp1)
    W1mid = jnp.kron(jnp.eye(NS, dtype=F32), W1j)
    W2f = jnp.kron(jnp.eye(2, dtype=F32), Wp2c).astype(bf)
    Ww2b = jnp.kron(jnp.eye(NS, dtype=F32), Ww2)
    tile2 = lambda a: jnp.tile(a.reshape(1, -1), (1, 2))
    consts = [Xsel, P3, W1mid, tile16(bp1), M64p, tile2(gp), tile2(btp),
              W2f, tile16(c128), K2sel, P8, Mseg, tile16(gw), tile16(btw),
              Ww2b, tile16(bw2), Sg, E2, EB2, SB]

    table, q2 = _run_proj(
        q, k, v, xyz, Wq, bq, gq, btq, Wk, bk, gk, btk, Wv, bv, Ww1)

    idx32 = reference_index.astype(jnp.int32)
    P = 5
    NP = N // P
    gather = _make_gather(NP * NS)
    outs = []
    for p in range(P):
        sl = slice(p * NP, (p + 1) * NP)
        gtab_p = gather(table, idx32[sl].reshape(-1))
        outs.append(_run_attn(gtab_p, q2[sl], xyz[sl], idx32[sl],
                              consts, NP, NS, C, G))
    return jnp.concatenate(outs, axis=0)

# --- scband reference (transcript-rebuilt; emitter-appended) ---
"""Pipeline reference for scband-point-transformer-v2-x-63479616634994 (READ-ONLY COPY).

The authoritative reference and input builder live on the scoring server;
editing this copy changes nothing except your own understanding.
"""

import jax, jax.numpy as jnp
import numpy as np

N = 50000
NS = 16
C = 64
G = 8

def _ln(x, g, b, eps=1e-5):
    m = jnp.mean(x, axis=-1, keepdims=True)
    v = jnp.var(x, axis=-1, keepdims=True)
    return (x - m) / jnp.sqrt(v + eps) * g + b

def setup_inputs(seed: int = 0) -> dict:
    key = jax.random.key(seed)
    ks = jax.random.split(key, 16)
    s = 0.05
    inp = {}
    inp['q'] = jax.random.normal(ks[0], (N, C), dtype=jnp.float32)
    inp['k'] = jax.random.normal(ks[1], (N, C), dtype=jnp.float32)
    inp['v'] = jax.random.normal(ks[2], (N, C), dtype=jnp.float32)
    inp['xyz'] = jax.random.uniform(ks[3], (N, 3), dtype=jnp.float32)
    inp['reference_index'] = jax.random.randint(ks[4], (N, NS), 0, N)
    # linear_q: Linear(C,C) + LayerNorm(C) + ReLU
    inp['Wq'] = jax.random.normal(ks[5], (C, C), dtype=jnp.float32) * s
    inp['bq'] = jnp.zeros((C,), dtype=jnp.float32)
    inp['gq'] = jnp.ones((C,), dtype=jnp.float32)
    inp['btq'] = jnp.zeros((C,), dtype=jnp.float32)
    # linear_k
    inp['Wk'] = jax.random.normal(ks[6], (C, C), dtype=jnp.float32) * s
    inp['bk'] = jnp.zeros((C,), dtype=jnp.float32)
    inp['gk'] = jnp.ones((C,), dtype=jnp.float32)
    inp['btk'] = jnp.zeros((C,), dtype=jnp.float32)
    # linear_v
    inp['Wv'] = jax.random.normal(ks[7], (C, C), dtype=jnp.float32) * s
    inp['bv'] = jnp.zeros((C,), dtype=jnp.float32)
    # linear_p_bias: Linear(3,C) + LN(C) + ReLU + Linear(C,C)
    inp['Wp1'] = jax.random.normal(ks[8], (3, C), dtype=jnp.float32) * s
    inp['bp1'] = jnp.zeros((C,), dtype=jnp.float32)
    inp['gp'] = jnp.ones((C,), dtype=jnp.float32)
    inp['btp'] = jnp.zeros((C,), dtype=jnp.float32)
    inp['Wp2'] = jax.random.normal(ks[9], (C, C), dtype=jnp.float32) * s
    inp['bp2'] = jnp.zeros((C,), dtype=jnp.float32)
    # weight_encoding: Linear(C,G) + LN(G) + ReLU + Linear(G,G)
    inp['Ww1'] = jax.random.normal(ks[10], (C, G), dtype=jnp.float32) * s
    inp['bw1'] = jnp.zeros((G,), dtype=jnp.float32)
    inp['gw'] = jnp.ones((G,), dtype=jnp.float32)
    inp['btw'] = jnp.zeros((G,), dtype=jnp.float32)
    inp['Ww2'] = jax.random.normal(ks[11], (G, G), dtype=jnp.float32) * s
    inp['bw2'] = jnp.zeros((G,), dtype=jnp.float32)
    return inp

def reference(q, k, v, xyz, reference_index, Wq, bq, gq, btq, Wk, bk, gk, btk, Wv, bv, Wp1, bp1, gp, btp, Wp2, bp2, Ww1, bw1, gw, btw, Ww2, bw2):
    new_xyz = xyz
    query = jax.nn.relu(_ln(q @ Wq + bq, gq, btq))
    key = jax.nn.relu(_ln(k @ Wk + bk, gk, btk))
    value = v @ Wv + bv
    # pointops.grouping: gather neighbor features + relative coords
    pos = xyz[reference_index] - new_xyz[:, None, :]          # [N, NS, 3]
    key_g = key[reference_index]                               # [N, NS, C]
    value_g = value[reference_index]                           # [N, NS, C]
    relation_qk = key_g - query[:, None, :]
    # pe_bias branch
    peb = jax.nn.relu(_ln(pos @ Wp1 + bp1, gp, btp)) @ Wp2 + bp2
    relation_qk = relation_qk + peb
    value_g = value_g + peb
    # weight encoding
    weight = jax.nn.relu(_ln(relation_qk @ Ww1 + bw1, gw, btw)) @ Ww2 + bw2  # [N, NS, G]
    weight = jax.nn.softmax(weight, axis=1)
    mask = jnp.sign(reference_index + 1).astype(weight.dtype)  # [N, NS]
    weight = weight * mask[:, :, None]
    value_g = value_g.reshape(N, NS, G, C // G)
    feat = jnp.einsum('nsgi,nsg->ngi', value_g, weight)
    feat = feat.reshape(N, C)
    return feat

if __name__ == "__main__":
    import jax
    _d = setup_inputs()
    print(jax.jit(kernel)(*tuple(_d.values())))

</pallas_src>

<mosaic_0001>
#map = affine_map<(d0, d1) -> (0, 0)>
#map1 = affine_map<(d0, d1) -> (0)>
module attributes {stable_mosaic.version = 14 : i64} {
  func.func @gather_k(%arg0: i32, %arg1: i32, %arg2: memref<50000x128xf32, #tpu.memory_space<hbm>>, %arg3: memref<160000xi32, #tpu.memory_space<hbm>>, %arg4: memref<160000x128xf32, #tpu.memory_space<hbm>>, %arg5: memref<1000xi32, #tpu.memory_space<vmem>>, %arg6: memref<1000x128xf32, #tpu.memory_space<vmem>>, %arg7: memref<!tpu.dma_semaphore, #tpu.memory_space<semaphore_mem>>) attributes {dimension_semantics = [#tpu.dimension_semantics<core_parallel>, #tpu.dimension_semantics<subcore_parallel>], iteration_bounds = array<i64: 2, 16>, scalar_prefetch = 0 : i64, scratch_operands = 3 : i64, tpu.core_type = #tpu.core_type<sc_vector_subcore>, window_params = [{transform_indices = #map}, {transform_indices = #map1}, {transform_indices = #map}]} {
    %mul3A = arith.constant 2 : i32
    %mul3A_0 = arith.muli %arg1, %mul3A : i32
    %add3A = arith.addi %mul3A_0, %arg0 : i32
    %mul3A_1 = arith.constant 5000 : i32
    %mul3A_2 = arith.muli %add3A, %mul3A_1 : i32
    %scan3A = arith.constant 0 : i32
    %scan3A_3 = arith.constant 0 : i32
    %scan3A_4 = arith.constant 5 : i32
    %scan3A_5 = arith.addi %scan3A_3, %scan3A_4 : i32
    %scan3A_6 = arith.constant 1 : i32
    scf.for %scan3A_8 = %scan3A_3 to %scan3A_5 step %scan3A_6  : i32 {
      %mul3A_9 = arith.constant 1000 : i32
      %mul3A_10 = arith.muli %scan3A_8, %mul3A_9 : i32
      %add3A_11 = arith.addi %mul3A_2, %mul3A_10 : i32
      "tpu.region"() ({
        %run_scoped3A = tpu.sem_alloc : memref<!tpu.dma_semaphore, #tpu.memory_space<semaphore_mem>>
        %dma_start3A_16 = tpu.memref_slice %arg3[%add3A_11] : memref<160000xi32, #tpu.memory_space<hbm>> -> memref<1000xi32, #tpu.memory_space<hbm>>
        %dma_start3A_17 = tpu.memref_slice %arg3[%add3A_11] : memref<160000xi32, #tpu.memory_space<hbm>> -> memref<1000xi32, #tpu.memory_space<hbm>>
        tpu.enqueue_dma source(%dma_start3A_17 : memref<1000xi32, #tpu.memory_space<hbm>>) target(%arg5 : memref<1000xi32, #tpu.memory_space<vmem>>) target_semaphore(%run_scoped3A : memref<!tpu.dma_semaphore, #tpu.memory_space<semaphore_mem>>)
        %dma_wait3A_18 = tpu.memref_slice %arg3[%add3A_11] : memref<160000xi32, #tpu.memory_space<hbm>> -> memref<1000xi32, #tpu.memory_space<hbm>>
        %dma_wait3A_19 = tpu.memref_slice %arg3[%add3A_11] : memref<160000xi32, #tpu.memory_space<hbm>> -> memref<1000xi32, #tpu.memory_space<hbm>>
        tpu.wait_dma2 semaphore(%run_scoped3A : memref<!tpu.dma_semaphore, #tpu.memory_space<semaphore_mem>>) src(%dma_wait3A_19 : memref<1000xi32, #tpu.memory_space<hbm>>) dst(%arg5 : memref<1000xi32, #tpu.memory_space<vmem>>)
        tpu.yield
      }) : () -> ()
      %dma_start3A = arith.constant 0 : i32
      %dma_start3A_12 = arith.constant 0 : i32
      %dma_start3A_13 = tpu.memref_slice %arg2[%dma_start3A, %dma_start3A_12] : memref<50000x128xf32, #tpu.memory_space<hbm>> -> memref<50000x128xf32, #tpu.memory_space<hbm>>
      tpu.enqueue_indirect_dma source(%dma_start3A_13 : memref<50000x128xf32, #tpu.memory_space<hbm>>) target(%arg6 : memref<1000x128xf32, #tpu.memory_space<vmem>>) offsets(%arg5 : memref<1000xi32, #tpu.memory_space<vmem>>) semaphore(%arg7 : memref<!tpu.dma_semaphore, #tpu.memory_space<semaphore_mem>>)
      %dma_wait3A = arith.constant 0 : i32
      %dma_wait3A_14 = arith.constant 0 : i32
      %dma_wait3A_15 = tpu.memref_slice %arg2[%dma_wait3A, %dma_wait3A_14] : memref<50000x128xf32, #tpu.memory_space<hbm>> -> memref<50000x128xf32, #tpu.memory_space<hbm>>
      tpu.wait_indirect_dma semaphore(%arg7 : memref<!tpu.dma_semaphore, #tpu.memory_space<semaphore_mem>>) src(%dma_wait3A_15 : memref<50000x128xf32, #tpu.memory_space<hbm>>) dst(%arg6 : memref<1000x128xf32, #tpu.memory_space<vmem>>)
      "tpu.region"() ({
        %run_scoped3A = tpu.sem_alloc : memref<!tpu.dma_semaphore, #tpu.memory_space<semaphore_mem>>
        %dma_start3A_16 = arith.constant 0 : i32
        %dma_start3A_17 = tpu.memref_slice %arg4[%add3A_11, %dma_start3A_16] : memref<160000x128xf32, #tpu.memory_space<hbm>> -> memref<1000x128xf32, #tpu.memory_space<hbm>>
        %dma_start3A_18 = arith.constant 0 : i32
        %dma_start3A_19 = tpu.memref_slice %arg4[%add3A_11, %dma_start3A_18] : memref<160000x128xf32, #tpu.memory_space<hbm>> -> memref<1000x128xf32, #tpu.memory_space<hbm>>
        tpu.enqueue_dma source(%arg6 : memref<1000x128xf32, #tpu.memory_space<vmem>>) target(%dma_start3A_19 : memref<1000x128xf32, #tpu.memory_space<hbm>>) target_semaphore(%run_scoped3A : memref<!tpu.dma_semaphore, #tpu.memory_space<semaphore_mem>>)
        %dma_wait3A_20 = arith.constant 0 : i32
        %dma_wait3A_21 = tpu.memref_slice %arg4[%add3A_11, %dma_wait3A_20] : memref<160000x128xf32, #tpu.memory_space<hbm>> -> memref<1000x128xf32, #tpu.memory_space<hbm>>
        %dma_wait3A_22 = arith.constant 0 : i32
        %dma_wait3A_23 = tpu.memref_slice %arg4[%add3A_11, %dma_wait3A_22] : memref<160000x128xf32, #tpu.memory_space<hbm>> -> memref<1000x128xf32, #tpu.memory_space<hbm>>
        tpu.wait_dma2 semaphore(%run_scoped3A : memref<!tpu.dma_semaphore, #tpu.memory_space<semaphore_mem>>) src(%arg6 : memref<1000x128xf32, #tpu.memory_space<vmem>>) dst(%dma_wait3A_23 : memref<1000x128xf32, #tpu.memory_space<hbm>>)
        tpu.yield
      }) : () -> ()
    }
    %scan3A_7 = arith.constant 5 : i32
    return
  }
}

#map = affine_map<(d0, d1) -> (0, 0)>
#map1 = affine_map<(d0, d1) -> (0)>
module attributes {stable_mosaic.version = 14 : i64} {
  func.func @gather_k(%arg0: i32, %arg1: i32, %arg2: memref<50000x128xf32, #tpu.memory_space<hbm>>, %arg3: memref<160000xi32, #tpu.memory_space<hbm>>, %arg4: memref<160000x128xf32, #tpu.memory_space<hbm>>, %arg5: memref<1000xi32, #tpu.memory_space<vmem>>, %arg6: memref<1000x128xf32, #tpu.memory_space<vmem>>, %arg7: memref<!tpu.dma_semaphore, #tpu.memory_space<semaphore_mem>>) attributes {dimension_semantics = [#tpu.dimension_semantics<core_parallel>, #tpu.dimension_semantics<subcore_parallel>], iteration_bounds = array<i64: 2, 16>, scalar_prefetch = 0 : i64, scratch_operands = 3 : i64, tpu.core_type = #tpu.core_type<sc_vector_subcore>, window_params = [{transform_indices = #map}, {transform_indices = #map1}, {transform_indices = #map}]} {
    %mul3A = arith.constant 2 : i32
    %mul3A_0 = arith.muli %arg1, %mul3A : i32
    %add3A = arith.addi %mul3A_0, %arg0 : i32
    %mul3A_1 = arith.constant 5000 : i32
    %mul3A_2 = arith.muli %add3A, %mul3A_1 : i32
    %scan3A = arith.constant 0 : i32
    %scan3A_3 = arith.constant 0 : i32
    %scan3A_4 = arith.constant 5 : i32
    %scan3A_5 = arith.addi %scan3A_3, %scan3A_4 : i32
    %scan3A_6 = arith.constant 1 : i32
    scf.for %scan3A_8 = %scan3A_3 to %scan3A_5 step %scan3A_6  : i32 {
      %mul3A_9 = arith.constant 1000 : i32
      %mul3A_10 = arith.muli %scan3A_8, %mul3A_9 : i32
      %add3A_11 = arith.addi %mul3A_2, %mul3A_10 : i32
      "tpu.region"() ({
        %run_scoped3A = tpu.sem_alloc : memref<!tpu.dma_semaphore, #tpu.memory_space<semaphore_mem>>
        %dma_start3A_16 = tpu.memref_slice %arg3[%add3A_11] : memref<160000xi32, #tpu.memory_space<hbm>> -> memref<1000xi32, #tpu.memory_space<hbm>>
        %dma_start3A_17 = tpu.memref_slice %arg3[%add3A_11] : memref<160000xi32, #tpu.memory_space<hbm>> -> memref<1000xi32, #tpu.memory_space<hbm>>
        tpu.enqueue_dma source(%dma_start3A_17 : memref<1000xi32, #tpu.memory_space<hbm>>) target(%arg5 : memref<1000xi32, #tpu.memory_space<vmem>>) target_semaphore(%run_scoped3A : memref<!tpu.dma_semaphore, #tpu.memory_space<semaphore_mem>>)
        %dma_wait3A_18 = tpu.memref_slice %arg3[%add3A_11] : memref<160000xi32, #tpu.memory_space<hbm>> -> memref<1000xi32, #tpu.memory_space<hbm>>
        %dma_wait3A_19 = tpu.memref_slice %arg3[%add3A_11] : memref<160000xi32, #tpu.memory_space<hbm>> -> memref<1000xi32, #tpu.memory_space<hbm>>
        tpu.wait_dma2 semaphore(%run_scoped3A : memref<!tpu.dma_semaphore, #tpu.memory_space<semaphore_mem>>) src(%dma_wait3A_19 : memref<1000xi32, #tpu.memory_space<hbm>>) dst(%arg5 : memref<1000xi32, #tpu.memory_space<vmem>>)
        tpu.yield
      }) : () -> ()
      %dma_start3A = arith.constant 0 : i32
      %dma_start3A_12 = arith.constant 0 : i32
      %dma_start3A_13 = tpu.memref_slice %arg2[%dma_start3A, %dma_start3A_12] : memref<50000x128xf32, #tpu.memory_space<hbm>> -> memref<50000x128xf32, #tpu.memory_space<hbm>>
      tpu.enqueue_indirect_dma source(%dma_start3A_13 : memref<50000x128xf32, #tpu.memory_space<hbm>>) target(%arg6 : memref<1000x128xf32, #tpu.memory_space<vmem>>) offsets(%arg5 : memref<1000xi32, #tpu.memory_space<vmem>>) semaphore(%arg7 : memref<!tpu.dma_semaphore, #tpu.memory_space<semaphore_mem>>)
      %dma_wait3A = arith.constant 0 : i32
      %dma_wait3A_14 = arith.constant 0 : i32
      %dma_wait3A_15 = tpu.memref_slice %arg2[%dma_wait3A, %dma_wait3A_14] : memref<50000x128xf32, #tpu.memory_space<hbm>> -> memref<50000x128xf32, #tpu.memory_space<hbm>>
      tpu.wait_indirect_dma semaphore(%arg7 : memref<!tpu.dma_semaphore, #tpu.memory_space<semaphore_mem>>) src(%dma_wait3A_15 : memref<50000x128xf32, #tpu.memory_space<hbm>>) dst(%arg6 : memref<1000x128xf32, #tpu.memory_space<vmem>>)
      "tpu.region"() ({
        %run_scoped3A = tpu.sem_alloc : memref<!tpu.dma_semaphore, #tpu.memory_space<semaphore_mem>>
        %dma_start3A_16 = arith.constant 0 : i32
        %dma_start3A_17 = tpu.memref_slice %arg4[%add3A_11, %dma_start3A_16] : memref<160000x128xf32, #tpu.memory_space<hbm>> -> memref<1000x128xf32, #tpu.memory_space<hbm>>
        %dma_start3A_18 = arith.constant 0 : i32
        %dma_start3A_19 = tpu.memref_slice %arg4[%add3A_11, %dma_start3A_18] : memref<160000x128xf32, #tpu.memory_space<hbm>> -> memref<1000x128xf32, #tpu.memory_space<hbm>>
        tpu.enqueue_dma source(%arg6 : memref<1000x128xf32, #tpu.memory_space<vmem>>) target(%dma_start3A_19 : memref<1000x128xf32, #tpu.memory_space<hbm>>) target_semaphore(%run_scoped3A : memref<!tpu.dma_semaphore, #tpu.memory_space<semaphore_mem>>)
        %dma_wait3A_20 = arith.constant 0 : i32
        %dma_wait3A_21 = tpu.memref_slice %arg4[%add3A_11, %dma_wait3A_20] : memref<160000x128xf32, #tpu.memory_space<hbm>> -> memref<1000x128xf32, #tpu.memory_space<hbm>>
        %dma_wait3A_22 = arith.constant 0 : i32
        %dma_wait3A_23 = tpu.memref_slice %arg4[%add3A_11, %dma_wait3A_22] : memref<160000x128xf32, #tpu.memory_space<hbm>> -> memref<1000x128xf32, #tpu.memory_space<hbm>>
        tpu.wait_dma2 semaphore(%run_scoped3A : memref<!tpu.dma_semaphore, #tpu.memory_space<semaphore_mem>>) src(%arg6 : memref<1000x128xf32, #tpu.memory_space<vmem>>) dst(%dma_wait3A_23 : memref<1000x128xf32, #tpu.memory_space<hbm>>)
        tpu.yield
      }) : () -> ()
    }
    %scan3A_7 = arith.constant 5 : i32
    return
  }
}

#map = affine_map<(d0, d1) -> (0, 0)>
#map1 = affine_map<(d0, d1) -> (0)>
module attributes {stable_mosaic.version = 14 : i64} {
  func.func @gather_k(%arg0: i32, %arg1: i32, %arg2: memref<50000x128xf32, #tpu.memory_space<hbm>>, %arg3: memref<160000xi32, #tpu.memory_space<hbm>>, %arg4: memref<160000x128xf32, #tpu.memory_space<hbm>>, %arg5: memref<1000xi32, #tpu.memory_space<vmem>>, %arg6: memref<1000x128xf32, #tpu.memory_space<vmem>>, %arg7: memref<!tpu.dma_semaphore, #tpu.memory_space<semaphore_mem>>) attributes {dimension_semantics = [#tpu.dimension_semantics<core_parallel>, #tpu.dimension_semantics<subcore_parallel>], iteration_bounds = array<i64: 2, 16>, scalar_prefetch = 0 : i64, scratch_operands = 3 : i64, tpu.core_type = #tpu.core_type<sc_vector_subcore>, window_params = [{transform_indices = #map}, {transform_indices = #map1}, {transform_indices = #map}]} {
    %mul3A = arith.constant 2 : i32
    %mul3A_0 = arith.muli %arg1, %mul3A : i32
    %add3A = arith.addi %mul3A_0, %arg0 : i32
    %mul3A_1 = arith.constant 5000 : i32
    %mul3A_2 = arith.muli %add3A, %mul3A_1 : i32
    %scan3A = arith.constant 0 : i32
    %scan3A_3 = arith.constant 0 : i32
    %scan3A_4 = arith.constant 5 : i32
    %scan3A_5 = arith.addi %scan3A_3, %scan3A_4 : i32
    %scan3A_6 = arith.constant 1 : i32
    scf.for %scan3A_8 = %scan3A_3 to %scan3A_5 step %scan3A_6  : i32 {
      %mul3A_9 = arith.constant 1000 : i32
      %mul3A_10 = arith.muli %scan3A_8, %mul3A_9 : i32
      %add3A_11 = arith.addi %mul3A_2, %mul3A_10 : i32
      "tpu.region"() ({
        %run_scoped3A = tpu.sem_alloc : memref<!tpu.dma_semaphore, #tpu.memory_space<semaphore_mem>>
        %dma_start3A_16 = tpu.memref_slice %arg3[%add3A_11] : memref<160000xi32, #tpu.memory_space<hbm>> -> memref<1000xi32, #tpu.memory_space<hbm>>
        %dma_start3A_17 = tpu.memref_slice %arg3[%add3A_11] : memref<160000xi32, #tpu.memory_space<hbm>> -> memref<1000xi32, #tpu.memory_space<hbm>>
        tpu.enqueue_dma source(%dma_start3A_17 : memref<1000xi32, #tpu.memory_space<hbm>>) target(%arg5 : memref<1000xi32, #tpu.memory_space<vmem>>) target_semaphore(%run_scoped3A : memref<!tpu.dma_semaphore, #tpu.memory_space<semaphore_mem>>)
        %dma_wait3A_18 = tpu.memref_slice %arg3[%add3A_11] : memref<160000xi32, #tpu.memory_space<hbm>> -> memref<1000xi32, #tpu.memory_space<hbm>>
        %dma_wait3A_19 = tpu.memref_slice %arg3[%add3A_11] : memref<160000xi32, #tpu.memory_space<hbm>> -> memref<1000xi32, #tpu.memory_space<hbm>>
        tpu.wait_dma2 semaphore(%run_scoped3A : memref<!tpu.dma_semaphore, #tpu.memory_space<semaphore_mem>>) src(%dma_wait3A_19 : memref<1000xi32, #tpu.memory_space<hbm>>) dst(%arg5 : memref<1000xi32, #tpu.memory_space<vmem>>)
        tpu.yield
      }) : () -> ()
      %dma_start3A = arith.constant 0 : i32
      %dma_start3A_12 = arith.constant 0 : i32
      %dma_start3A_13 = tpu.memref_slice %arg2[%dma_start3A, %dma_start3A_12] : memref<50000x128xf32, #tpu.memory_space<hbm>> -> memref<50000x128xf32, #tpu.memory_space<hbm>>
      tpu.enqueue_indirect_dma source(%dma_start3A_13 : memref<50000x128xf32, #tpu.memory_space<hbm>>) target(%arg6 : memref<1000x128xf32, #tpu.memory_space<vmem>>) offsets(%arg5 : memref<1000xi32, #tpu.memory_space<vmem>>) semaphore(%arg7 : memref<!tpu.dma_semaphore, #tpu.memory_space<semaphore_mem>>)
      %dma_wait3A = arith.constant 0 : i32
      %dma_wait3A_14 = arith.constant 0 : i32
      %dma_wait3A_15 = tpu.memref_slice %arg2[%dma_wait3A, %dma_wait3A_14] : memref<50000x128xf32, #tpu.memory_space<hbm>> -> memref<50000x128xf32, #tpu.memory_space<hbm>>
      tpu.wait_indirect_dma semaphore(%arg7 : memref<!tpu.dma_semaphore, #tpu.memory_space<semaphore_mem>>) src(%dma_wait3A_15 : memref<50000x128xf32, #tpu.memory_space<hbm>>) dst(%arg6 : memref<1000x128xf32, #tpu.memory_space<vmem>>)
      "tpu.region"() ({
        %run_scoped3A = tpu.sem_alloc : memref<!tpu.dma_semaphore, #tpu.memory_space<semaphore_mem>>
        %dma_start3A_16 = arith.constant 0 : i32
        %dma_start3A_17 = tpu.memref_slice %arg4[%add3A_11, %dma_start3A_16] : memref<160000x128xf32, #tpu.memory_space<hbm>> -> memref<1000x128xf32, #tpu.memory_space<hbm>>
        %dma_start3A_18 = arith.constant 0 : i32
        %dma_start3A_19 = tpu.memref_slice %arg4[%add3A_11, %dma_start3A_18] : memref<160000x128xf32, #tpu.memory_space<hbm>> -> memref<1000x128xf32, #tpu.memory_space<hbm>>
        tpu.enqueue_dma source(%arg6 : memref<1000x128xf32, #tpu.memory_space<vmem>>) target(%dma_start3A_19 : memref<1000x128xf32, #tpu.memory_space<hbm>>) target_semaphore(%run_scoped3A : memref<!tpu.dma_semaphore, #tpu.memory_space<semaphore_mem>>)
        %dma_wait3A_20 = arith.constant 0 : i32
        %dma_wait3A_21 = tpu.memref_slice %arg4[%add3A_11, %dma_wait3A_20] : memref<160000x128xf32, #tpu.memory_space<hbm>> -> memref<1000x128xf32, #tpu.memory_space<hbm>>
        %dma_wait3A_22 = arith.constant 0 : i32
        %dma_wait3A_23 = tpu.memref_slice %arg4[%add3A_11, %dma_wait3A_22] : memref<160000x128xf32, #tpu.memory_space<hbm>> -> memref<1000x128xf32, #tpu.memory_space<hbm>>
        tpu.wait_dma2 semaphore(%run_scoped3A : memref<!tpu.dma_semaphore, #tpu.memory_space<semaphore_mem>>) src(%arg6 : memref<1000x128xf32, #tpu.memory_space<vmem>>) dst(%dma_wait3A_23 : memref<1000x128xf32, #tpu.memory_space<hbm>>)
        tpu.yield
      }) : () -> ()
    }
    %scan3A_7 = arith.constant 5 : i32
    return
  }
}

#map = affine_map<(d0, d1) -> (0, 0)>
#map1 = affine_map<(d0, d1) -> (0)>
module attributes {stable_mosaic.version = 14 : i64} {
  func.func @gather_k(%arg0: i32, %arg1: i32, %arg2: memref<50000x128xf32, #tpu.memory_space<hbm>>, %arg3: memref<160000xi32, #tpu.memory_space<hbm>>, %arg4: memref<160000x128xf32, #tpu.memory_space<hbm>>, %arg5: memref<1000xi32, #tpu.memory_space<vmem>>, %arg6: memref<1000x128xf32, #tpu.memory_space<vmem>>, %arg7: memref<!tpu.dma_semaphore, #tpu.memory_space<semaphore_mem>>) attributes {dimension_semantics = [#tpu.dimension_semantics<core_parallel>, #tpu.dimension_semantics<subcore_parallel>], iteration_bounds = array<i64: 2, 16>, scalar_prefetch = 0 : i64, scratch_operands = 3 : i64, tpu.core_type = #tpu.core_type<sc_vector_subcore>, window_params = [{transform_indices = #map}, {transform_indices = #map1}, {transform_indices = #map}]} {
    %mul3A = arith.constant 2 : i32
    %mul3A_0 = arith.muli %arg1, %mul3A : i32
    %add3A = arith.addi %mul3A_0, %arg0 : i32
    %mul3A_1 = arith.constant 5000 : i32
    %mul3A_2 = arith.muli %add3A, %mul3A_1 : i32
    %scan3A = arith.constant 0 : i32
    %scan3A_3 = arith.constant 0 : i32
    %scan3A_4 = arith.constant 5 : i32
    %scan3A_5 = arith.addi %scan3A_3, %scan3A_4 : i32
    %scan3A_6 = arith.constant 1 : i32
    scf.for %scan3A_8 = %scan3A_3 to %scan3A_5 step %scan3A_6  : i32 {
      %mul3A_9 = arith.constant 1000 : i32
      %mul3A_10 = arith.muli %scan3A_8, %mul3A_9 : i32
      %add3A_11 = arith.addi %mul3A_2, %mul3A_10 : i32
      "tpu.region"() ({
        %run_scoped3A = tpu.sem_alloc : memref<!tpu.dma_semaphore, #tpu.memory_space<semaphore_mem>>
        %dma_start3A_16 = tpu.memref_slice %arg3[%add3A_11] : memref<160000xi32, #tpu.memory_space<hbm>> -> memref<1000xi32, #tpu.memory_space<hbm>>
        %dma_start3A_17 = tpu.memref_slice %arg3[%add3A_11] : memref<160000xi32, #tpu.memory_space<hbm>> -> memref<1000xi32, #tpu.memory_space<hbm>>
        tpu.enqueue_dma source(%dma_start3A_17 : memref<1000xi32, #tpu.memory_space<hbm>>) target(%arg5 : memref<1000xi32, #tpu.memory_space<vmem>>) target_semaphore(%run_scoped3A : memref<!tpu.dma_semaphore, #tpu.memory_space<semaphore_mem>>)
        %dma_wait3A_18 = tpu.memref_slice %arg3[%add3A_11] : memref<160000xi32, #tpu.memory_space<hbm>> -> memref<1000xi32, #tpu.memory_space<hbm>>
        %dma_wait3A_19 = tpu.memref_slice %arg3[%add3A_11] : memref<160000xi32, #tpu.memory_space<hbm>> -> memref<1000xi32, #tpu.memory_space<hbm>>
        tpu.wait_dma2 semaphore(%run_scoped3A : memref<!tpu.dma_semaphore, #tpu.memory_space<semaphore_mem>>) src(%dma_wait3A_19 : memref<1000xi32, #tpu.memory_space<hbm>>) dst(%arg5 : memref<1000xi32, #tpu.memory_space<vmem>>)
        tpu.yield
      }) : () -> ()
      %dma_start3A = arith.constant 0 : i32
      %dma_start3A_12 = arith.constant 0 : i32
      %dma_start3A_13 = tpu.memref_slice %arg2[%dma_start3A, %dma_start3A_12] : memref<50000x128xf32, #tpu.memory_space<hbm>> -> memref<50000x128xf32, #tpu.memory_space<hbm>>
      tpu.enqueue_indirect_dma source(%dma_start3A_13 : memref<50000x128xf32, #tpu.memory_space<hbm>>) target(%arg6 : memref<1000x128xf32, #tpu.memory_space<vmem>>) offsets(%arg5 : memref<1000xi32, #tpu.memory_space<vmem>>) semaphore(%arg7 : memref<!tpu.dma_semaphore, #tpu.memory_space<semaphore_mem>>)
      %dma_wait3A = arith.constant 0 : i32
      %dma_wait3A_14 = arith.constant 0 : i32
      %dma_wait3A_15 = tpu.memref_slice %arg2[%dma_wait3A, %dma_wait3A_14] : memref<50000x128xf32, #tpu.memory_space<hbm>> -> memref<50000x128xf32, #tpu.memory_space<hbm>>
      tpu.wait_indirect_dma semaphore(%arg7 : memref<!tpu.dma_semaphore, #tpu.memory_space<semaphore_mem>>) src(%dma_wait3A_15 : memref<50000x128xf32, #tpu.memory_space<hbm>>) dst(%arg6 : memref<1000x128xf32, #tpu.memory_space<vmem>>)
      "tpu.region"() ({
        %run_scoped3A = tpu.sem_alloc : memref<!tpu.dma_semaphore, #tpu.memory_space<semaphore_mem>>
        %dma_start3A_16 = arith.constant 0 : i32
        %dma_start3A_17 = tpu.memref_slice %arg4[%add3A_11, %dma_start3A_16] : memref<160000x128xf32, #tpu.memory_space<hbm>> -> memref<1000x128xf32, #tpu.memory_space<hbm>>
        %dma_start3A_18 = arith.constant 0 : i32
        %dma_start3A_19 = tpu.memref_slice %arg4[%add3A_11, %dma_start3A_18] : memref<160000x128xf32, #tpu.memory_space<hbm>> -> memref<1000x128xf32, #tpu.memory_space<hbm>>
        tpu.enqueue_dma source(%arg6 : memref<1000x128xf32, #tpu.memory_space<vmem>>) target(%dma_start3A_19 : memref<1000x128xf32, #tpu.memory_space<hbm>>) target_semaphore(%run_scoped3A : memref<!tpu.dma_semaphore, #tpu.memory_space<semaphore_mem>>)
        %dma_wait3A_20 = arith.constant 0 : i32
        %dma_wait3A_21 = tpu.memref_slice %arg4[%add3A_11, %dma_wait3A_20] : memref<160000x128xf32, #tpu.memory_space<hbm>> -> memref<1000x128xf32, #tpu.memory_space<hbm>>
        %dma_wait3A_22 = arith.constant 0 : i32
        %dma_wait3A_23 = tpu.memref_slice %arg4[%add3A_11, %dma_wait3A_22] : memref<160000x128xf32, #tpu.memory_space<hbm>> -> memref<1000x128xf32, #tpu.memory_space<hbm>>
        tpu.wait_dma2 semaphore(%run_scoped3A : memref<!tpu.dma_semaphore, #tpu.memory_space<semaphore_mem>>) src(%arg6 : memref<1000x128xf32, #tpu.memory_space<vmem>>) dst(%dma_wait3A_23 : memref<1000x128xf32, #tpu.memory_space<hbm>>)
        tpu.yield
      }) : () -> ()
    }
    %scan3A_7 = arith.constant 5 : i32
    return
  }
}

#map = affine_map<(d0, d1) -> (0, 0)>
#map1 = affine_map<(d0, d1) -> (0)>
module attributes {stable_mosaic.version = 14 : i64} {
  func.func @gather_k(%arg0: i32, %arg1: i32, %arg2: memref<50000x128xf32, #tpu.memory_space<hbm>>, %arg3: memref<160000xi32, #tpu.memory_space<hbm>>, %arg4: memref<160000x128xf32, #tpu.memory_space<hbm>>, %arg5: memref<1000xi32, #tpu.memory_space<vmem>>, %arg6: memref<1000x128xf32, #tpu.memory_space<vmem>>, %arg7: memref<!tpu.dma_semaphore, #tpu.memory_space<semaphore_mem>>) attributes {dimension_semantics = [#tpu.dimension_semantics<core_parallel>, #tpu.dimension_semantics<subcore_parallel>], iteration_bounds = array<i64: 2, 16>, scalar_prefetch = 0 : i64, scratch_operands = 3 : i64, tpu.core_type = #tpu.core_type<sc_vector_subcore>, window_params = [{transform_indices = #map}, {transform_indices = #map1}, {transform_indices = #map}]} {
    %mul3A = arith.constant 2 : i32
    %mul3A_0 = arith.muli %arg1, %mul3A : i32
    %add3A = arith.addi %mul3A_0, %arg0 : i32
    %mul3A_1 = arith.constant 5000 : i32
    %mul3A_2 = arith.muli %add3A, %mul3A_1 : i32
    %scan3A = arith.constant 0 : i32
    %scan3A_3 = arith.constant 0 : i32
    %scan3A_4 = arith.constant 5 : i32
    %scan3A_5 = arith.addi %scan3A_3, %scan3A_4 : i32
    %scan3A_6 = arith.constant 1 : i32
    scf.for %scan3A_8 = %scan3A_3 to %scan3A_5 step %scan3A_6  : i32 {
      %mul3A_9 = arith.constant 1000 : i32
      %mul3A_10 = arith.muli %scan3A_8, %mul3A_9 : i32
      %add3A_11 = arith.addi %mul3A_2, %mul3A_10 : i32
      "tpu.region"() ({
        %run_scoped3A = tpu.sem_alloc : memref<!tpu.dma_semaphore, #tpu.memory_space<semaphore_mem>>
        %dma_start3A_16 = tpu.memref_slice %arg3[%add3A_11] : memref<160000xi32, #tpu.memory_space<hbm>> -> memref<1000xi32, #tpu.memory_space<hbm>>
        %dma_start3A_17 = tpu.memref_slice %arg3[%add3A_11] : memref<160000xi32, #tpu.memory_space<hbm>> -> memref<1000xi32, #tpu.memory_space<hbm>>
        tpu.enqueue_dma source(%dma_start3A_17 : memref<1000xi32, #tpu.memory_space<hbm>>) target(%arg5 : memref<1000xi32, #tpu.memory_space<vmem>>) target_semaphore(%run_scoped3A : memref<!tpu.dma_semaphore, #tpu.memory_space<semaphore_mem>>)
        %dma_wait3A_18 = tpu.memref_slice %arg3[%add3A_11] : memref<160000xi32, #tpu.memory_space<hbm>> -> memref<1000xi32, #tpu.memory_space<hbm>>
        %dma_wait3A_19 = tpu.memref_slice %arg3[%add3A_11] : memref<160000xi32, #tpu.memory_space<hbm>> -> memref<1000xi32, #tpu.memory_space<hbm>>
        tpu.wait_dma2 semaphore(%run_scoped3A : memref<!tpu.dma_semaphore, #tpu.memory_space<semaphore_mem>>) src(%dma_wait3A_19 : memref<1000xi32, #tpu.memory_space<hbm>>) dst(%arg5 : memref<1000xi32, #tpu.memory_space<vmem>>)
        tpu.yield
      }) : () -> ()
      %dma_start3A = arith.constant 0 : i32
      %dma_start3A_12 = arith.constant 0 : i32
      %dma_start3A_13 = tpu.memref_slice %arg2[%dma_start3A, %dma_start3A_12] : memref<50000x128xf32, #tpu.memory_space<hbm>> -> memref<50000x128xf32, #tpu.memory_space<hbm>>
      tpu.enqueue_indirect_dma source(%dma_start3A_13 : memref<50000x128xf32, #tpu.memory_space<hbm>>) target(%arg6 : memref<1000x128xf32, #tpu.memory_space<vmem>>) offsets(%arg5 : memref<1000xi32, #tpu.memory_space<vmem>>) semaphore(%arg7 : memref<!tpu.dma_semaphore, #tpu.memory_space<semaphore_mem>>)
      %dma_wait3A = arith.constant 0 : i32
      %dma_wait3A_14 = arith.constant 0 : i32
      %dma_wait3A_15 = tpu.memref_slice %arg2[%dma_wait3A, %dma_wait3A_14] : memref<50000x128xf32, #tpu.memory_space<hbm>> -> memref<50000x128xf32, #tpu.memory_space<hbm>>
      tpu.wait_indirect_dma semaphore(%arg7 : memref<!tpu.dma_semaphore, #tpu.memory_space<semaphore_mem>>) src(%dma_wait3A_15 : memref<50000x128xf32, #tpu.memory_space<hbm>>) dst(%arg6 : memref<1000x128xf32, #tpu.memory_space<vmem>>)
      "tpu.region"() ({
        %run_scoped3A = tpu.sem_alloc : memref<!tpu.dma_semaphore, #tpu.memory_space<semaphore_mem>>
        %dma_start3A_16 = arith.constant 0 : i32
        %dma_start3A_17 = tpu.memref_slice %arg4[%add3A_11, %dma_start3A_16] : memref<160000x128xf32, #tpu.memory_space<hbm>> -> memref<1000x128xf32, #tpu.memory_space<hbm>>
        %dma_start3A_18 = arith.constant 0 : i32
        %dma_start3A_19 = tpu.memref_slice %arg4[%add3A_11, %dma_start3A_18] : memref<160000x128xf32, #tpu.memory_space<hbm>> -> memref<1000x128xf32, #tpu.memory_space<hbm>>
        tpu.enqueue_dma source(%arg6 : memref<1000x128xf32, #tpu.memory_space<vmem>>) target(%dma_start3A_19 : memref<1000x128xf32, #tpu.memory_space<hbm>>) target_semaphore(%run_scoped3A : memref<!tpu.dma_semaphore, #tpu.memory_space<semaphore_mem>>)
        %dma_wait3A_20 = arith.constant 0 : i32
        %dma_wait3A_21 = tpu.memref_slice %arg4[%add3A_11, %dma_wait3A_20] : memref<160000x128xf32, #tpu.memory_space<hbm>> -> memref<1000x128xf32, #tpu.memory_space<hbm>>
        %dma_wait3A_22 = arith.constant 0 : i32
        %dma_wait3A_23 = tpu.memref_slice %arg4[%add3A_11, %dma_wait3A_22] : memref<160000x128xf32, #tpu.memory_space<hbm>> -> memref<1000x128xf32, #tpu.memory_space<hbm>>
        tpu.wait_dma2 semaphore(%run_scoped3A : memref<!tpu.dma_semaphore, #tpu.memory_space<semaphore_mem>>) src(%arg6 : memref<1000x128xf32, #tpu.memory_space<vmem>>) dst(%dma_wait3A_23 : memref<1000x128xf32, #tpu.memory_space<hbm>>)
        tpu.yield
      }) : () -> ()
    }
    %scan3A_7 = arith.constant 5 : i32
    return
  }
}

module attributes {stable_mosaic.version = 14 : i64} {
  func.func @_proj_body(%arg0: i32, %arg1: memref<1000x64xf32, #tpu.memory_space<vmem>>, %arg2: memref<1000x64xf32, #tpu.memory_space<vmem>>, %arg3: memref<1000x64xf32, #tpu.memory_space<vmem>>, %arg4: memref<1000x3xf32, #tpu.memory_space<vmem>>, %arg5: memref<128x128xbf16, #tpu.memory_space<vmem>>, %arg6: memref<1x128xf32, #tpu.memory_space<vmem>>, %arg7: memref<128x128xbf16, #tpu.memory_space<vmem>>, %arg8: memref<1x128xf32, #tpu.memory_space<vmem>>, %arg9: memref<1x128xf32, #tpu.memory_space<vmem>>, %arg10: memref<64x128xbf16, #tpu.memory_space<vmem>>, %arg11: memref<128x128xbf16, #tpu.memory_space<vmem>>, %arg12: memref<3x128xf32, #tpu.memory_space<vmem>>, %arg13: memref<128x8xbf16, #tpu.memory_space<vmem>>, %arg14: memref<1x128xf32, #tpu.memory_space<vmem>>, %arg15: memref<1000x128xf32, #tpu.memory_space<vmem>>, %arg16: memref<1000x8xf32, #tpu.memory_space<vmem>>) attributes {dimension_semantics = [#tpu.dimension_semantics<arbitrary>], iteration_bounds = array<i64: 50>, scalar_prefetch = 0 : i64, scratch_operands = 0 : i64, tpu.core_type = #tpu.core_type<tc>, window_params = [{transform_indices = @transform_0, window_bounds = array<i64: 1000, 64>}, {transform_indices = @transform_1, window_bounds = array<i64: 1000, 64>}, {transform_indices = @transform_2, window_bounds = array<i64: 1000, 64>}, {transform_indices = @transform_3, window_bounds = array<i64: 1000, 3>}, {pipeline_mode = #tpu.pipeline_mode<synchronous>, transform_indices = @transform_4, window_bounds = array<i64: 128, 128>}, {pipeline_mode = #tpu.pipeline_mode<synchronous>, transform_indices = @transform_5, window_bounds = array<i64: 1, 128>}, {pipeline_mode = #tpu.pipeline_mode<synchronous>, transform_indices = @transform_6, window_bounds = array<i64: 128, 128>}, {pipeline_mode = #tpu.pipeline_mode<synchronous>, transform_indices = @transform_7, window_bounds = array<i64: 1, 128>}, {pipeline_mode = #tpu.pipeline_mode<synchronous>, transform_indices = @transform_8, window_bounds = array<i64: 1, 128>}, {pipeline_mode = #tpu.pipeline_mode<synchronous>, transform_indices = @transform_9, window_bounds = array<i64: 64, 128>}, {pipeline_mode = #tpu.pipeline_mode<synchronous>, transform_indices = @transform_10, window_bounds = array<i64: 128, 128>}, {pipeline_mode = #tpu.pipeline_mode<synchronous>, transform_indices = @transform_11, window_bounds = array<i64: 3, 128>}, {pipeline_mode = #tpu.pipeline_mode<synchronous>, transform_indices = @transform_12, window_bounds = array<i64: 128, 8>}, {pipeline_mode = #tpu.pipeline_mode<synchronous>, transform_indices = @transform_13, window_bounds = array<i64: 1, 128>}, {transform_indices = @transform_14, window_bounds = array<i64: 1000, 128>}, {transform_indices = @transform_15, window_bounds = array<i64: 1000, 8>}]} {
    %get3A = arith.constant 0 : index
    %get3A_0 = arith.constant 0 : index
    %get3A_1 = vector.load %arg1[%get3A, %get3A_0] : memref<1000x64xf32, #tpu.memory_space<vmem>>, vector<1000x64xf32>
    %get3A_2 = arith.constant 0 : index
    %get3A_3 = arith.constant 0 : index
    %get3A_4 = vector.load %arg2[%get3A_2, %get3A_3] : memref<1000x64xf32, #tpu.memory_space<vmem>>, vector<1000x64xf32>
    %concatenate3A = tpu.concatenate %get3A_1, %get3A_4 in 1 : vector<1000x64xf32>, vector<1000x64xf32> -> vector<1000x128xf32>
    %convert_element_type3A = arith.truncf %concatenate3A : vector<1000x128xf32> to vector<1000x128xbf16>
    %get3A_5 = arith.constant 0 : index
    %get3A_6 = arith.constant 0 : index
    %get3A_7 = vector.load %arg5[%get3A_5, %get3A_6] : memref<128x128xbf16, #tpu.memory_space<vmem>>, vector<128x128xbf16>
    %dot_general3A = arith.constant dense<0.000000e+00> : vector<1000x128xf32>
    %dot_general3A_8 = tpu.matmul %convert_element_type3A, %get3A_7, %dot_general3A {dimension_numbers = #tpu.dot_dimension_numbers<[1], [0], [0], [1], [0, 0, 1, 1], [], []>, transpose_lhs_hint = false} : vector<1000x128xbf16>, vector<128x128xbf16>, vector<1000x128xf32> -> vector<1000x128xf32>
    %get3A_9 = arith.constant 0 : index
    %get3A_10 = arith.constant 0 : index
    %get3A_11 = vector.load %arg6[%get3A_9, %get3A_10] : memref<1x128xf32, #tpu.memory_space<vmem>>, vector<1x128xf32>
    %add3A = vector.broadcast %get3A_11 : vector<1x128xf32> to vector<1000x128xf32>
    %add3A_12 = arith.addf %dot_general3A_8, %add3A : vector<1000x128xf32>
    %convert_element_type3A_13 = arith.truncf %add3A_12 : vector<1000x128xf32> to vector<1000x128xbf16>
    %get3A_14 = arith.constant 0 : index
    %get3A_15 = arith.constant 0 : index
    %get3A_16 = vector.load %arg7[%get3A_14, %get3A_15] : memref<128x128xbf16, #tpu.memory_space<vmem>>, vector<128x128xbf16>
    %dot_general3A_17 = arith.constant dense<0.000000e+00> : vector<1000x128xf32>
    %dot_general3A_18 = tpu.matmul %convert_element_type3A_13, %get3A_16, %dot_general3A_17 {dimension_numbers = #tpu.dot_dimension_numbers<[1], [0], [0], [1], [0, 0, 1, 1], [], []>, transpose_lhs_hint = false} : vector<1000x128xbf16>, vector<128x128xbf16>, vector<1000x128xf32> -> vector<1000x128xf32>
    %mul3A = arith.mulf %add3A_12, %add3A_12 : vector<1000x128xf32>
    %convert_element_type3A_19 = arith.truncf %mul3A : vector<1000x128xf32> to vector<1000x128xbf16>
    %get3A_20 = arith.constant 0 : index
    %get3A_21 = arith.constant 0 : index
    %get3A_22 = vector.load %arg7[%get3A_20, %get3A_21] : memref<128x128xbf16, #tpu.memory_space<vmem>>, vector<128x128xbf16>
    %dot_general3A_23 = arith.constant dense<0.000000e+00> : vector<1000x128xf32>
    %dot_general3A_24 = tpu.matmul %convert_element_type3A_19, %get3A_22, %dot_general3A_23 {dimension_numbers = #tpu.dot_dimension_numbers<[1], [0], [0], [1], [0, 0, 1, 1], [], []>, transpose_lhs_hint = false} : vector<1000x128xbf16>, vector<128x128xbf16>, vector<1000x128xf32> -> vector<1000x128xf32>
    %sub3A = arith.subf %add3A_12, %dot_general3A_18 : vector<1000x128xf32>
    %mul3A_25 = arith.mulf %dot_general3A_18, %dot_general3A_18 : vector<1000x128xf32>
    %sub3A_26 = arith.subf %dot_general3A_24, %mul3A_25 : vector<1000x128xf32>
    %add3A_27 = arith.constant 9.99999974E-6 : f32
    %add3A_28 = vector.broadcast %add3A_27 : f32 to vector<1000x128xf32>
    %add3A_29 = arith.addf %sub3A_26, %add3A_28 : vector<1000x128xf32>
    %rsqrt3A = math.rsqrt %add3A_29 : vector<1000x128xf32>
    %mul3A_30 = arith.mulf %sub3A, %rsqrt3A : vector<1000x128xf32>
    %get3A_31 = arith.constant 0 : index
    %get3A_32 = arith.constant 0 : index
    %get3A_33 = vector.load %arg8[%get3A_31, %get3A_32] : memref<1x128xf32, #tpu.memory_space<vmem>>, vector<1x128xf32>
    %mul3A_34 = vector.broadcast %get3A_33 : vector<1x128xf32> to vector<1000x128xf32>
    %mul3A_35 = arith.mulf %mul3A_30, %mul3A_34 : vector<1000x128xf32>
    %get3A_36 = arith.constant 0 : index
    %get3A_37 = arith.constant 0 : index
    %get3A_38 = vector.load %arg9[%get3A_36, %get3A_37] : memref<1x128xf32, #tpu.memory_space<vmem>>, vector<1x128xf32>
    %add3A_39 = vector.broadcast %get3A_38 : vector<1x128xf32> to vector<1000x128xf32>
    %add3A_40 = arith.addf %mul3A_35, %add3A_39 : vector<1000x128xf32>
    %max3A = arith.constant 0.000000e+00 : f32
    %max3A_41 = vector.broadcast %max3A : f32 to vector<1000x128xf32>
    %max3A_42 = arith.maximumf %add3A_40, %max3A_41 : vector<1000x128xf32>
    %get3A_43 = arith.constant 0 : index
    %get3A_44 = arith.constant 0 : index
    %get3A_45 = vector.load %arg3[%get3A_43, %get3A_44] : memref<1000x64xf32, #tpu.memory_space<vmem>>, vector<1000x64xf32>
    %convert_element_type3A_46 = arith.truncf %get3A_45 : vector<1000x64xf32> to vector<1000x64xbf16>
    %get3A_47 = arith.constant 0 : index
    %get3A_48 = arith.constant 0 : index
    %get3A_49 = vector.load %arg10[%get3A_47, %get3A_48] : memref<64x128xbf16, #tpu.memory_space<vmem>>, vector<64x128xbf16>
    %dot_general3A_50 = arith.constant dense<0.000000e+00> : vector<1000x128xf32>
    %dot_general3A_51 = tpu.matmul %convert_element_type3A_46, %get3A_49, %dot_general3A_50 {dimension_numbers = #tpu.dot_dimension_numbers<[1], [0], [0], [1], [0, 0, 1, 1], [], []>, transpose_lhs_hint = false} : vector<1000x64xbf16>, vector<64x128xbf16>, vector<1000x128xf32> -> vector<1000x128xf32>
    %convert_element_type3A_52 = arith.truncf %max3A_42 : vector<1000x128xf32> to vector<1000x128xbf16>
    %get3A_53 = arith.constant 0 : index
    %get3A_54 = arith.constant 0 : index
    %get3A_55 = vector.load %arg11[%get3A_53, %get3A_54] : memref<128x128xbf16, #tpu.memory_space<vmem>>, vector<128x128xbf16>
    %dot_general3A_56 = arith.constant dense<0.000000e+00> : vector<1000x128xf32>
    %dot_general3A_57 = tpu.matmul %convert_element_type3A_52, %get3A_55, %dot_general3A_56 {dimension_numbers = #tpu.dot_dimension_numbers<[1], [0], [0], [1], [0, 0, 1, 1], [], []>, transpose_lhs_hint = false} : vector<1000x128xbf16>, vector<128x128xbf16>, vector<1000x128xf32> -> vector<1000x128xf32>
    %add3A_58 = arith.addf %dot_general3A_51, %dot_general3A_57 : vector<1000x128xf32>
    %get3A_59 = arith.constant 0 : index
    %get3A_60 = arith.constant 0 : index
    %get3A_61 = vector.load %arg4[%get3A_59, %get3A_60] : memref<1000x3xf32, #tpu.memory_space<vmem>>, vector<1000x3xf32>
    %get3A_62 = arith.constant 0 : index
    %get3A_63 = arith.constant 0 : index
    %get3A_64 = vector.load %arg12[%get3A_62, %get3A_63] : memref<3x128xf32, #tpu.memory_space<vmem>>, vector<3x128xf32>
    %dot_general3A_65 = arith.constant dense<0.000000e+00> : vector<1000x128xf32>
    %dot_general3A_66 = tpu.matmul %get3A_61, %get3A_64, %dot_general3A_65 {dimension_numbers = #tpu.dot_dimension_numbers<[1], [0], [0], [1], [0, 0, 1, 1], [], []>, transpose_lhs_hint = false} : vector<1000x3xf32>, vector<3x128xf32>, vector<1000x128xf32> -> vector<1000x128xf32>
    %add3A_67 = arith.addf %add3A_58, %dot_general3A_66 : vector<1000x128xf32>
    %get3A_68 = arith.constant 0 : index
    %get3A_69 = arith.constant 0 : index
    %get3A_70 = vector.load %arg14[%get3A_68, %get3A_69] : memref<1x128xf32, #tpu.memory_space<vmem>>, vector<1x128xf32>
    %add3A_71 = vector.broadcast %get3A_70 : vector<1x128xf32> to vector<1000x128xf32>
    %add3A_72 = arith.addf %add3A_67, %add3A_71 : vector<1000x128xf32>
    %swap3A = arith.constant 0 : index
    %swap3A_73 = arith.constant 0 : index
    %swap3A_74 = vector.load %arg15[%swap3A, %swap3A_73] : memref<1000x128xf32, #tpu.memory_space<vmem>>, vector<1000x128xf32>
    tpu.vector_store %arg15[%swap3A, %swap3A_73], %add3A_72 {strides = array<i32>} : memref<1000x128xf32, #tpu.memory_space<vmem>>, vector<1000x128xf32>,
    %convert_element_type3A_75 = arith.truncf %max3A_42 : vector<1000x128xf32> to vector<1000x128xbf16>
    %get3A_76 = arith.constant 0 : index
    %get3A_77 = arith.constant 0 : index
    %get3A_78 = vector.load %arg13[%get3A_76, %get3A_77] : memref<128x8xbf16, #tpu.memory_space<vmem>>, vector<128x8xbf16>
    %dot_general3A_79 = arith.constant dense<0.000000e+00> : vector<1000x8xf32>
    %dot_general3A_80 = tpu.matmul %convert_element_type3A_75, %get3A_78, %dot_general3A_79 {dimension_numbers = #tpu.dot_dimension_numbers<[1], [0], [0], [1], [0, 0, 1, 1], [], []>, transpose_lhs_hint = false} : vector<1000x128xbf16>, vector<128x8xbf16>, vector<1000x8xf32> -> vector<1000x8xf32>
    %swap3A_81 = arith.constant 0 : index
    %swap3A_82 = arith.constant 0 : index
    %swap3A_83 = vector.load %arg16[%swap3A_81, %swap3A_82] : memref<1000x8xf32, #tpu.memory_space<vmem>>, vector<1000x8xf32>
    tpu.vector_store %arg16[%swap3A_81, %swap3A_82], %dot_general3A_80 {strides = array<i32>} : memref<1000x8xf32, #tpu.memory_space<vmem>>, vector<1000x8xf32>,
    return
  }
  func.func @transform_0(%arg0: i32) -> (i32, i32) {
    %c0_i32 = arith.constant 0 : i32
    %c0_i32_0 = arith.constant 0 : i32
    return %arg0, %c0_i32 : i32, i32
  }
  func.func @transform_1(%arg0: i32) -> (i32, i32) {
    %c0_i32 = arith.constant 0 : i32
    %c0_i32_0 = arith.constant 0 : i32
    return %arg0, %c0_i32 : i32, i32
  }
  func.func @transform_2(%arg0: i32) -> (i32, i32) {
    %c0_i32 = arith.constant 0 : i32
    %c0_i32_0 = arith.constant 0 : i32
    return %arg0, %c0_i32 : i32, i32
  }
  func.func @transform_3(%arg0: i32) -> (i32, i32) {
    %c0_i32 = arith.constant 0 : i32
    %c0_i32_0 = arith.constant 0 : i32
    return %arg0, %c0_i32 : i32, i32
  }
  func.func @transform_4(%arg0: i32) -> (i32, i32) {
    %c0_i32 = arith.constant 0 : i32
    %c0_i32_0 = arith.constant 0 : i32
    %c0_i32_1 = arith.constant 0 : i32
    return %c0_i32, %c0_i32_0 : i32, i32
  }
  func.func @transform_5(%arg0: i32) -> (i32, i32) {
    %c0_i32 = arith.constant 0 : i32
    %c0_i32_0 = arith.constant 0 : i32
    %c0_i32_1 = arith.constant 0 : i32
    return %c0_i32, %c0_i32_0 : i32, i32
  }
  func.func @transform_6(%arg0: i32) -> (i32, i32) {
    %c0_i32 = arith.constant 0 : i32
    %c0_i32_0 = arith.constant 0 : i32
    %c0_i32_1 = arith.constant 0 : i32
    return %c0_i32, %c0_i32_0 : i32, i32
  }
  func.func @transform_7(%arg0: i32) -> (i32, i32) {
    %c0_i32 = arith.constant 0 : i32
    %c0_i32_0 = arith.constant 0 : i32
    %c0_i32_1 = arith.constant 0 : i32
    return %c0_i32, %c0_i32_0 : i32, i32
  }
  func.func @transform_8(%arg0: i32) -> (i32, i32) {
    %c0_i32 = arith.constant 0 : i32
    %c0_i32_0 = arith.constant 0 : i32
    %c0_i32_1 = arith.constant 0 : i32
    return %c0_i32, %c0_i32_0 : i32, i32
  }
  func.func @transform_9(%arg0: i32) -> (i32, i32) {
    %c0_i32 = arith.constant 0 : i32
    %c0_i32_0 = arith.constant 0 : i32
    %c0_i32_1 = arith.constant 0 : i32
    return %c0_i32, %c0_i32_0 : i32, i32
  }
  func.func @transform_10(%arg0: i32) -> (i32, i32) {
    %c0_i32 = arith.constant 0 : i32
    %c0_i32_0 = arith.constant 0 : i32
    %c0_i32_1 = arith.constant 0 : i32
    return %c0_i32, %c0_i32_0 : i32, i32
  }
  func.func @transform_11(%arg0: i32) -> (i32, i32) {
    %c0_i32 = arith.constant 0 : i32
    %c0_i32_0 = arith.constant 0 : i32
    %c0_i32_1 = arith.constant 0 : i32
    return %c0_i32, %c0_i32_0 : i32, i32
  }
  func.func @transform_12(%arg0: i32) -> (i32, i32) {
    %c0_i32 = arith.constant 0 : i32
    %c0_i32_0 = arith.constant 0 : i32
    %c0_i32_1 = arith.constant 0 : i32
    return %c0_i32, %c0_i32_0 : i32, i32
  }
  func.func @transform_13(%arg0: i32) -> (i32, i32) {
    %c0_i32 = arith.constant 0 : i32
    %c0_i32_0 = arith.constant 0 : i32
    %c0_i32_1 = arith.constant 0 : i32
    return %c0_i32, %c0_i32_0 : i32, i32
  }
  func.func @transform_14(%arg0: i32) -> (i32, i32) {
    %c0_i32 = arith.constant 0 : i32
    %c0_i32_0 = arith.constant 0 : i32
    return %arg0, %c0_i32 : i32, i32
  }
  func.func @transform_15(%arg0: i32) -> (i32, i32) {
    %c0_i32 = arith.constant 0 : i32
    %c0_i32_0 = arith.constant 0 : i32
    return %arg0, %c0_i32 : i32, i32
  }
}

module attributes {stable_mosaic.version = 14 : i64} {
  func.func @_attn_body(%arg0: i32, %arg1: memref<16000x128xf32, #tpu.memory_space<vmem>>, %arg2: memref<1000x8xf32, #tpu.memory_space<vmem>>, %arg3: memref<1000x3xf32, #tpu.memory_space<vmem>>, %arg4: memref<1000x16xi32, #tpu.memory_space<vmem>>, %arg5: memref<2048x128xf32, #tpu.memory_space<vmem>>, %arg6: memref<3x128xf32, #tpu.memory_space<vmem>>, %arg7: memref<128x1024xf32, #tpu.memory_space<vmem>>, %arg8: memref<1x1024xf32, #tpu.memory_space<vmem>>, %arg9: memref<128x128xbf16, #tpu.memory_space<vmem>>, %arg10: memref<1x128xf32, #tpu.memory_space<vmem>>, %arg11: memref<1x128xf32, #tpu.memory_space<vmem>>, %arg12: memref<128x256xbf16, #tpu.memory_space<vmem>>, %arg13: memref<1x2048xf32, #tpu.memory_space<vmem>>, %arg14: memref<2048x128xbf16, #tpu.memory_space<vmem>>, %arg15: memref<8x128xf32, #tpu.memory_space<vmem>>, %arg16: memref<128x128xf32, #tpu.memory_space<vmem>>, %arg17: memref<1x128xf32, #tpu.memory_space<vmem>>, %arg18: memref<1x128xf32, #tpu.memory_space<vmem>>, %arg19: memref<128x128xf32, #tpu.memory_space<vmem>>, %arg20: memref<1x128xf32, #tpu.memory_space<vmem>>, %arg21: memref<128x128xf32, #tpu.memory_space<vmem>>, %arg22: memref<16x128xf32, #tpu.memory_space<vmem>>, %arg23: memref<128x2048xbf16, #tpu.memory_space<vmem>>, %arg24: memref<2048x64xbf16, #tpu.memory_space<vmem>>, %arg25: memref<1000x64xf32, #tpu.memory_space<vmem>>) attributes {dimension_semantics = [#tpu.dimension_semantics<arbitrary>], iteration_bounds = array<i64: 10>, scalar_prefetch = 0 : i64, scratch_operands = 0 : i64, tpu.core_type = #tpu.core_type<tc>, window_params = [{transform_indices = @transform_0, window_bounds = array<i64: 16000, 128>}, {transform_indices = @transform_1, window_bounds = array<i64: 1000, 8>}, {transform_indices = @transform_2, window_bounds = array<i64: 1000, 3>}, {transform_indices = @transform_3, window_bounds = array<i64: 1000, 16>}, {pipeline_mode = #tpu.pipeline_mode<synchronous>, transform_indices = @transform_4, window_bounds = array<i64: 2048, 128>}, {pipeline_mode = #tpu.pipeline_mode<synchronous>, transform_indices = @transform_5, window_bounds = array<i64: 3, 128>}, {pipeline_mode = #tpu.pipeline_mode<synchronous>, transform_indices = @transform_6, window_bounds = array<i64: 128, 1024>}, {pipeline_mode = #tpu.pipeline_mode<synchronous>, transform_indices = @transform_7, window_bounds = array<i64: 1, 1024>}, {pipeline_mode = #tpu.pipeline_mode<synchronous>, transform_indices = @transform_8, window_bounds = array<i64: 128, 128>}, {pipeline_mode = #tpu.pipeline_mode<synchronous>, transform_indices = @transform_9, window_bounds = array<i64: 1, 128>}, {pipeline_mode = #tpu.pipeline_mode<synchronous>, transform_indices = @transform_10, window_bounds = array<i64: 1, 128>}, {pipeline_mode = #tpu.pipeline_mode<synchronous>, transform_indices = @transform_11, window_bounds = array<i64: 128, 256>}, {pipeline_mode = #tpu.pipeline_mode<synchronous>, transform_indices = @transform_12, window_bounds = array<i64: 1, 2048>}, {pipeline_mode = #tpu.pipeline_mode<synchronous>, transform_indices = @transform_13, window_bounds = array<i64: 2048, 128>}, {pipeline_mode = #tpu.pipeline_mode<synchronous>, transform_indices = @transform_14, window_bounds = array<i64: 8, 128>}, {pipeline_mode = #tpu.pipeline_mode<synchronous>, transform_indices = @transform_15, window_bounds = array<i64: 128, 128>}, {pipeline_mode = #tpu.pipeline_mode<synchronous>, transform_indices = @transform_16, window_bounds = array<i64: 1, 128>}, {pipeline_mode = #tpu.pipeline_mode<synchronous>, transform_indices = @transform_17, window_bounds = array<i64: 1, 128>}, {pipeline_mode = #tpu.pipeline_mode<synchronous>, transform_indices = @transform_18, window_bounds = array<i64: 128, 128>}, {pipeline_mode = #tpu.pipeline_mode<synchronous>, transform_indices = @transform_19, window_bounds = array<i64: 1, 128>}, {pipeline_mode = #tpu.pipeline_mode<synchronous>, transform_indices = @transform_20, window_bounds = array<i64: 128, 128>}, {pipeline_mode = #tpu.pipeline_mode<synchronous>, transform_indices = @transform_21, window_bounds = array<i64: 16, 128>}, {pipeline_mode = #tpu.pipeline_mode<synchronous>, transform_indices = @transform_22, window_bounds = array<i64: 128, 2048>}, {pipeline_mode = #tpu.pipeline_mode<synchronous>, transform_indices = @transform_23, window_bounds = array<i64: 2048, 64>}, {transform_indices = @transform_24, window_bounds = array<i64: 1000, 64>}]} {
    %get3A = arith.constant 0 : index
    %get3A_0 = arith.constant 0 : index
    %get3A_1 = vector.load %arg1[%get3A, %get3A_0] : memref<16000x128xf32, #tpu.memory_space<vmem>>, vector<16000x128xf32>
    %reshape3A = vector.shape_cast %get3A_1 : vector<16000x128xf32> to vector<1000x2048xf32>
    %get3A_2 = arith.constant 0 : index
    %get3A_3 = arith.constant 0 : index
    %get3A_4 = vector.load %arg5[%get3A_2, %get3A_3] : memref<2048x128xf32, #tpu.memory_space<vmem>>, vector<2048x128xf32>
    %dot_general3A = arith.constant dense<0.000000e+00> : vector<1000x128xf32>
    %dot_general3A_5 = tpu.matmul %reshape3A, %get3A_4, %dot_general3A {dimension_numbers = #tpu.dot_dimension_numbers<[1], [0], [0], [1], [0, 0, 1, 1], [], []>, transpose_lhs_hint = false} : vector<1000x2048xf32>, vector<2048x128xf32>, vector<1000x128xf32> -> vector<1000x128xf32>
    %get3A_6 = arith.constant 0 : index
    %get3A_7 = arith.constant 0 : index
    %get3A_8 = vector.load %arg3[%get3A_6, %get3A_7] : memref<1000x3xf32, #tpu.memory_space<vmem>>, vector<1000x3xf32>
    %get3A_9 = arith.constant 0 : index
    %get3A_10 = arith.constant 0 : index
    %get3A_11 = vector.load %arg6[%get3A_9, %get3A_10] : memref<3x128xf32, #tpu.memory_space<vmem>>, vector<3x128xf32>
    %dot_general3A_12 = arith.constant dense<0.000000e+00> : vector<1000x128xf32>
    %dot_general3A_13 = tpu.matmul %get3A_8, %get3A_11, %dot_general3A_12 {dimension_numbers = #tpu.dot_dimension_numbers<[1], [0], [0], [1], [0, 0, 1, 1], [], []>, transpose_lhs_hint = false} : vector<1000x3xf32>, vector<3x128xf32>, vector<1000x128xf32> -> vector<1000x128xf32>
    %sub3A = arith.subf %dot_general3A_5, %dot_general3A_13 : vector<1000x128xf32>
    %get3A_14 = arith.constant 0 : index
    %get3A_15 = arith.constant 0 : index
    %get3A_16 = vector.load %arg7[%get3A_14, %get3A_15] : memref<128x1024xf32, #tpu.memory_space<vmem>>, vector<128x1024xf32>
    %dot_general3A_17 = arith.constant dense<0.000000e+00> : vector<1000x1024xf32>
    %dot_general3A_18 = tpu.matmul %sub3A, %get3A_16, %dot_general3A_17 {dimension_numbers = #tpu.dot_dimension_numbers<[1], [0], [0], [1], [0, 0, 1, 1], [], []>, transpose_lhs_hint = false} : vector<1000x128xf32>, vector<128x1024xf32>, vector<1000x1024xf32> -> vector<1000x1024xf32>
    %get3A_19 = arith.constant 0 : index
    %get3A_20 = arith.constant 0 : index
    %get3A_21 = vector.load %arg8[%get3A_19, %get3A_20] : memref<1x1024xf32, #tpu.memory_space<vmem>>, vector<1x1024xf32>
    %add3A = vector.broadcast %get3A_21 : vector<1x1024xf32> to vector<1000x1024xf32>
    %add3A_22 = arith.addf %dot_general3A_18, %add3A : vector<1000x1024xf32>
    %reshape3A_23 = vector.shape_cast %add3A_22 : vector<1000x1024xf32> to vector<8000x128xf32>
    %convert_element_type3A = arith.truncf %reshape3A_23 : vector<8000x128xf32> to vector<8000x128xbf16>
    %get3A_24 = arith.constant 0 : index
    %get3A_25 = arith.constant 0 : index
    %get3A_26 = vector.load %arg9[%get3A_24, %get3A_25] : memref<128x128xbf16, #tpu.memory_space<vmem>>, vector<128x128xbf16>
    %dot_general3A_27 = arith.constant dense<0.000000e+00> : vector<8000x128xf32>
    %dot_general3A_28 = tpu.matmul %convert_element_type3A, %get3A_26, %dot_general3A_27 {dimension_numbers = #tpu.dot_dimension_numbers<[1], [0], [0], [1], [0, 0, 1, 1], [], []>, transpose_lhs_hint = false} : vector<8000x128xbf16>, vector<128x128xbf16>, vector<8000x128xf32> -> vector<8000x128xf32>
    %mul3A = arith.mulf %reshape3A_23, %reshape3A_23 : vector<8000x128xf32>
    %convert_element_type3A_29 = arith.truncf %mul3A : vector<8000x128xf32> to vector<8000x128xbf16>
    %get3A_30 = arith.constant 0 : index
    %get3A_31 = arith.constant 0 : index
    %get3A_32 = vector.load %arg9[%get3A_30, %get3A_31] : memref<128x128xbf16, #tpu.memory_space<vmem>>, vector<128x128xbf16>
    %dot_general3A_33 = arith.constant dense<0.000000e+00> : vector<8000x128xf32>
    %dot_general3A_34 = tpu.matmul %convert_element_type3A_29, %get3A_32, %dot_general3A_33 {dimension_numbers = #tpu.dot_dimension_numbers<[1], [0], [0], [1], [0, 0, 1, 1], [], []>, transpose_lhs_hint = false} : vector<8000x128xbf16>, vector<128x128xbf16>, vector<8000x128xf32> -> vector<8000x128xf32>
    %sub3A_35 = arith.subf %reshape3A_23, %dot_general3A_28 : vector<8000x128xf32>
    %mul3A_36 = arith.mulf %dot_general3A_28, %dot_general3A_28 : vector<8000x128xf32>
    %sub3A_37 = arith.subf %dot_general3A_34, %mul3A_36 : vector<8000x128xf32>
    %add3A_38 = arith.constant 9.99999974E-6 : f32
    %add3A_39 = vector.broadcast %add3A_38 : f32 to vector<8000x128xf32>
    %add3A_40 = arith.addf %sub3A_37, %add3A_39 : vector<8000x128xf32>
    %rsqrt3A = math.rsqrt %add3A_40 : vector<8000x128xf32>
    %mul3A_41 = arith.mulf %sub3A_35, %rsqrt3A : vector<8000x128xf32>
    %get3A_42 = arith.constant 0 : index
    %get3A_43 = arith.constant 0 : index
    %get3A_44 = vector.load %arg10[%get3A_42, %get3A_43] : memref<1x128xf32, #tpu.memory_space<vmem>>, vector<1x128xf32>
    %mul3A_45 = vector.broadcast %get3A_44 : vector<1x128xf32> to vector<8000x128xf32>
    %mul3A_46 = arith.mulf %mul3A_41, %mul3A_45 : vector<8000x128xf32>
    %get3A_47 = arith.constant 0 : index
    %get3A_48 = arith.constant 0 : index
    %get3A_49 = vector.load %arg11[%get3A_47, %get3A_48] : memref<1x128xf32, #tpu.memory_space<vmem>>, vector<1x128xf32>
    %add3A_50 = vector.broadcast %get3A_49 : vector<1x128xf32> to vector<8000x128xf32>
    %add3A_51 = arith.addf %mul3A_46, %add3A_50 : vector<8000x128xf32>
    %max3A = arith.constant 0.000000e+00 : f32
    %max3A_52 = vector.broadcast %max3A : f32 to vector<8000x128xf32>
    %max3A_53 = arith.maximumf %add3A_51, %max3A_52 : vector<8000x128xf32>
    %convert_element_type3A_54 = arith.truncf %max3A_53 : vector<8000x128xf32> to vector<8000x128xbf16>
    %get3A_55 = arith.constant 0 : index
    %get3A_56 = arith.constant 0 : index
    %get3A_57 = vector.load %arg12[%get3A_55, %get3A_56] : memref<128x256xbf16, #tpu.memory_space<vmem>>, vector<128x256xbf16>
    %dot_general3A_58 = arith.constant dense<0.000000e+00> : vector<8000x256xf32>
    %dot_general3A_59 = tpu.matmul %convert_element_type3A_54, %get3A_57, %dot_general3A_58 {dimension_numbers = #tpu.dot_dimension_numbers<[1], [0], [0], [1], [0, 0, 1, 1], [], []>, transpose_lhs_hint = false} : vector<8000x128xbf16>, vector<128x256xbf16>, vector<8000x256xf32> -> vector<8000x256xf32>
    %reshape3A_60 = vector.shape_cast %dot_general3A_59 : vector<8000x256xf32> to vector<1000x2048xf32>
    %add3A_61 = arith.addf %reshape3A, %reshape3A_60 : vector<1000x2048xf32>
    %get3A_62 = arith.constant 0 : index
    %get3A_63 = arith.constant 0 : index
    %get3A_64 = vector.load %arg13[%get3A_62, %get3A_63] : memref<1x2048xf32, #tpu.memory_space<vmem>>, vector<1x2048xf32>
    %add3A_65 = vector.broadcast %get3A_64 : vector<1x2048xf32> to vector<1000x2048xf32>
    %add3A_66 = arith.addf %add3A_61, %add3A_65 : vector<1000x2048xf32>
    %convert_element_type3A_67 = arith.truncf %add3A_66 : vector<1000x2048xf32> to vector<1000x2048xbf16>
    %get3A_68 = arith.constant 0 : index
    %get3A_69 = arith.constant 0 : index
    %get3A_70 = vector.load %arg14[%get3A_68, %get3A_69] : memref<2048x128xbf16, #tpu.memory_space<vmem>>, vector<2048x128xbf16>
    %dot_general3A_71 = arith.constant dense<0.000000e+00> : vector<1000x128xf32>
    %dot_general3A_72 = tpu.matmul %convert_element_type3A_67, %get3A_70, %dot_general3A_71 {dimension_numbers = #tpu.dot_dimension_numbers<[1], [0], [0], [1], [0, 0, 1, 1], [], []>, transpose_lhs_hint = false} : vector<1000x2048xbf16>, vector<2048x128xbf16>, vector<1000x128xf32> -> vector<1000x128xf32>
    %get3A_73 = arith.constant 0 : index
    %get3A_74 = arith.constant 0 : index
    %get3A_75 = vector.load %arg2[%get3A_73, %get3A_74] : memref<1000x8xf32, #tpu.memory_space<vmem>>, vector<1000x8xf32>
    %get3A_76 = arith.constant 0 : index
    %get3A_77 = arith.constant 0 : index
    %get3A_78 = vector.load %arg15[%get3A_76, %get3A_77] : memref<8x128xf32, #tpu.memory_space<vmem>>, vector<8x128xf32>
    %dot_general3A_79 = arith.constant dense<0.000000e+00> : vector<1000x128xf32>
    %dot_general3A_80 = tpu.matmul %get3A_75, %get3A_78, %dot_general3A_79 {dimension_numbers = #tpu.dot_dimension_numbers<[1], [0], [0], [1], [0, 0, 1, 1], [], []>, transpose_lhs_hint = false} : vector<1000x8xf32>, vector<8x128xf32>, vector<1000x128xf32> -> vector<1000x128xf32>
    %sub3A_81 = arith.subf %dot_general3A_72, %dot_general3A_80 : vector<1000x128xf32>
    %get3A_82 = arith.constant 0 : index
    %get3A_83 = arith.constant 0 : index
    %get3A_84 = vector.load %arg16[%get3A_82, %get3A_83] : memref<128x128xf32, #tpu.memory_space<vmem>>, vector<128x128xf32>
    %dot_general3A_85 = arith.constant dense<0.000000e+00> : vector<1000x128xf32>
    %dot_general3A_86 = tpu.matmul %sub3A_81, %get3A_84, %dot_general3A_85 {dimension_numbers = #tpu.dot_dimension_numbers<[1], [0], [0], [1], [0, 0, 1, 1], [], []>, transpose_lhs_hint = false} : vector<1000x128xf32>, vector<128x128xf32>, vector<1000x128xf32> -> vector<1000x128xf32>
    %mul3A_87 = arith.mulf %sub3A_81, %sub3A_81 : vector<1000x128xf32>
    %get3A_88 = arith.constant 0 : index
    %get3A_89 = arith.constant 0 : index
    %get3A_90 = vector.load %arg16[%get3A_88, %get3A_89] : memref<128x128xf32, #tpu.memory_space<vmem>>, vector<128x128xf32>
    %dot_general3A_91 = arith.constant dense<0.000000e+00> : vector<1000x128xf32>
    %dot_general3A_92 = tpu.matmul %mul3A_87, %get3A_90, %dot_general3A_91 {dimension_numbers = #tpu.dot_dimension_numbers<[1], [0], [0], [1], [0, 0, 1, 1], [], []>, transpose_lhs_hint = false} : vector<1000x128xf32>, vector<128x128xf32>, vector<1000x128xf32> -> vector<1000x128xf32>
    %sub3A_93 = arith.subf %sub3A_81, %dot_general3A_86 : vector<1000x128xf32>
    %mul3A_94 = arith.mulf %dot_general3A_86, %dot_general3A_86 : vector<1000x128xf32>
    %sub3A_95 = arith.subf %dot_general3A_92, %mul3A_94 : vector<1000x128xf32>
    %add3A_96 = arith.constant 9.99999974E-6 : f32
    %add3A_97 = vector.broadcast %add3A_96 : f32 to vector<1000x128xf32>
    %add3A_98 = arith.addf %sub3A_95, %add3A_97 : vector<1000x128xf32>
    %rsqrt3A_99 = math.rsqrt %add3A_98 : vector<1000x128xf32>
    %mul3A_100 = arith.mulf %sub3A_93, %rsqrt3A_99 : vector<1000x128xf32>
    %get3A_101 = arith.constant 0 : index
    %get3A_102 = arith.constant 0 : index
    %get3A_103 = vector.load %arg17[%get3A_101, %get3A_102] : memref<1x128xf32, #tpu.memory_space<vmem>>, vector<1x128xf32>
    %mul3A_104 = vector.broadcast %get3A_103 : vector<1x128xf32> to vector<1000x128xf32>
    %mul3A_105 = arith.mulf %mul3A_100, %mul3A_104 : vector<1000x128xf32>
    %get3A_106 = arith.constant 0 : index
    %get3A_107 = arith.constant 0 : index
    %get3A_108 = vector.load %arg18[%get3A_106, %get3A_107] : memref<1x128xf32, #tpu.memory_space<vmem>>, vector<1x128xf32>
    %add3A_109 = vector.broadcast %get3A_108 : vector<1x128xf32> to vector<1000x128xf32>
    %add3A_110 = arith.addf %mul3A_105, %add3A_109 : vector<1000x128xf32>
    %max3A_111 = arith.constant 0.000000e+00 : f32
    %max3A_112 = vector.broadcast %max3A_111 : f32 to vector<1000x128xf32>
    %max3A_113 = arith.maximumf %add3A_110, %max3A_112 : vector<1000x128xf32>
    %get3A_114 = arith.constant 0 : index
    %get3A_115 = arith.constant 0 : index
    %get3A_116 = vector.load %arg19[%get3A_114, %get3A_115] : memref<128x128xf32, #tpu.memory_space<vmem>>, vector<128x128xf32>
    %dot_general3A_117 = arith.constant dense<0.000000e+00> : vector<1000x128xf32>
    %dot_general3A_118 = tpu.matmul %max3A_113, %get3A_116, %dot_general3A_117 {dimension_numbers = #tpu.dot_dimension_numbers<[1], [0], [0], [1], [0, 0, 1, 1], [], []>, transpose_lhs_hint = false} : vector<1000x128xf32>, vector<128x128xf32>, vector<1000x128xf32> -> vector<1000x128xf32>
    %get3A_119 = arith.constant 0 : index
    %get3A_120 = arith.constant 0 : index
    %get3A_121 = vector.load %arg20[%get3A_119, %get3A_120] : memref<1x128xf32, #tpu.memory_space<vmem>>, vector<1x128xf32>
    %add3A_122 = vector.broadcast %get3A_121 : vector<1x128xf32> to vector<1000x128xf32>
    %add3A_123 = arith.addf %dot_general3A_118, %add3A_122 : vector<1000x128xf32>
    %reduce_max3A = arith.constant dense<0xFF800000> : vector<1000xf32>
    %reduce_max3A_124 = vector.multi_reduction <maximumf>, %add3A_123, %reduce_max3A [1] : vector<1000x128xf32> to vector<1000xf32>
    %broadcast_in_dim3A = vector.shape_cast %reduce_max3A_124 : vector<1000xf32> to vector<1000x1xf32>
    %sub3A_125 = vector.broadcast %broadcast_in_dim3A : vector<1000x1xf32> to vector<1000x128xf32>
    %sub3A_126 = arith.subf %add3A_123, %sub3A_125 : vector<1000x128xf32>
    %exp3A = math.exp %sub3A_126 : vector<1000x128xf32>
    %get3A_127 = arith.constant 0 : index
    %get3A_128 = arith.constant 0 : index
    %get3A_129 = vector.load %arg21[%get3A_127, %get3A_128] : memref<128x128xf32, #tpu.memory_space<vmem>>, vector<128x128xf32>
    %dot_general3A_130 = arith.constant dense<0.000000e+00> : vector<1000x128xf32>
    %dot_general3A_131 = tpu.matmul %exp3A, %get3A_129, %dot_general3A_130 {dimension_numbers = #tpu.dot_dimension_numbers<[1], [0], [0], [1], [0, 0, 1, 1], [], []>, transpose_lhs_hint = false} : vector<1000x128xf32>, vector<128x128xf32>, vector<1000x128xf32> -> vector<1000x128xf32>
    %div3A = arith.divf %exp3A, %dot_general3A_131 : vector<1000x128xf32>
    %get3A_132 = arith.constant 0 : index
    %get3A_133 = arith.constant 0 : index
    %get3A_134 = vector.load %arg4[%get3A_132, %get3A_133] : memref<1000x16xi32, #tpu.memory_space<vmem>>, vector<1000x16xi32>
    %add3A_135 = arith.constant 1 : i32
    %add3A_136 = vector.broadcast %add3A_135 : i32 to vector<1000x16xi32>
    %add3A_137 = arith.addi %get3A_134, %add3A_136 : vector<1000x16xi32>
    %sign3A = arith.constant 0 : i32
    %sign3A_138 = vector.broadcast %sign3A : i32 to vector<1000x16xi32>
    %sign3A_139 = arith.cmpi sgt, %add3A_137, %sign3A_138 : vector<1000x16xi32>
    %sign3A_140 = arith.extui %sign3A_139 : vector<1000x16xi1> to vector<1000x16xi32>
    %sign3A_141 = arith.constant 0 : i32
    %sign3A_142 = vector.broadcast %sign3A_141 : i32 to vector<1000x16xi32>
    %sign3A_143 = arith.cmpi slt, %add3A_137, %sign3A_142 : vector<1000x16xi32>
    %sign3A_144 = arith.extui %sign3A_143 : vector<1000x16xi1> to vector<1000x16xi32>
    %sign3A_145 = arith.subi %sign3A_140, %sign3A_144 : vector<1000x16xi32>
    %convert_element_type3A_146 = arith.sitofp %sign3A_145 : vector<1000x16xi32> to vector<1000x16xf32>
    %get3A_147 = arith.constant 0 : index
    %get3A_148 = arith.constant 0 : index
    %get3A_149 = vector.load %arg22[%get3A_147, %get3A_148] : memref<16x128xf32, #tpu.memory_space<vmem>>, vector<16x128xf32>
    %dot_general3A_150 = arith.constant dense<0.000000e+00> : vector<1000x128xf32>
    %dot_general3A_151 = tpu.matmul %convert_element_type3A_146, %get3A_149, %dot_general3A_150 {dimension_numbers = #tpu.dot_dimension_numbers<[1], [0], [0], [1], [0, 0, 1, 1], [], []>, transpose_lhs_hint = false} : vector<1000x16xf32>, vector<16x128xf32>, vector<1000x128xf32> -> vector<1000x128xf32>
    %mul3A_152 = arith.mulf %div3A, %dot_general3A_151 : vector<1000x128xf32>
    %convert_element_type3A_153 = arith.truncf %mul3A_152 : vector<1000x128xf32> to vector<1000x128xbf16>
    %get3A_154 = arith.constant 0 : index
    %get3A_155 = arith.constant 0 : index
    %get3A_156 = vector.load %arg23[%get3A_154, %get3A_155] : memref<128x2048xbf16, #tpu.memory_space<vmem>>, vector<128x2048xbf16>
    %dot_general3A_157 = arith.constant dense<0.000000e+00> : vector<1000x2048xf32>
    %dot_general3A_158 = tpu.matmul %convert_element_type3A_153, %get3A_156, %dot_general3A_157 {dimension_numbers = #tpu.dot_dimension_numbers<[1], [0], [0], [1], [0, 0, 1, 1], [], []>, transpose_lhs_hint = false} : vector<1000x128xbf16>, vector<128x2048xbf16>, vector<1000x2048xf32> -> vector<1000x2048xf32>
    %mul3A_159 = arith.mulf %dot_general3A_158, %add3A_66 : vector<1000x2048xf32>
    %convert_element_type3A_160 = arith.truncf %mul3A_159 : vector<1000x2048xf32> to vector<1000x2048xbf16>
    %get3A_161 = arith.constant 0 : index
    %get3A_162 = arith.constant 0 : index
    %get3A_163 = vector.load %arg24[%get3A_161, %get3A_162] : memref<2048x64xbf16, #tpu.memory_space<vmem>>, vector<2048x64xbf16>
    %dot_general3A_164 = arith.constant dense<0.000000e+00> : vector<1000x64xf32>
    %dot_general3A_165 = tpu.matmul %convert_element_type3A_160, %get3A_163, %dot_general3A_164 {dimension_numbers = #tpu.dot_dimension_numbers<[1], [0], [0], [1], [0, 0, 1, 1], [], []>, transpose_lhs_hint = false} : vector<1000x2048xbf16>, vector<2048x64xbf16>, vector<1000x64xf32> -> vector<1000x64xf32>
    %swap3A = arith.constant 0 : index
    %swap3A_166 = arith.constant 0 : index
    %swap3A_167 = vector.load %arg25[%swap3A, %swap3A_166] : memref<1000x64xf32, #tpu.memory_space<vmem>>, vector<1000x64xf32>
    tpu.vector_store %arg25[%swap3A, %swap3A_166], %dot_general3A_165 {strides = array<i32>} : memref<1000x64xf32, #tpu.memory_space<vmem>>, vector<1000x64xf32>,
    return
  }
  func.func @transform_0(%arg0: i32) -> (i32, i32) {
    %c0_i32 = arith.constant 0 : i32
    %c0_i32_0 = arith.constant 0 : i32
    return %arg0, %c0_i32 : i32, i32
  }
  func.func @transform_1(%arg0: i32) -> (i32, i32) {
    %c0_i32 = arith.constant 0 : i32
    %c0_i32_0 = arith.constant 0 : i32
    return %arg0, %c0_i32 : i32, i32
  }
  func.func @transform_2(%arg0: i32) -> (i32, i32) {
    %c0_i32 = arith.constant 0 : i32
    %c0_i32_0 = arith.constant 0 : i32
    return %arg0, %c0_i32 : i32, i32
  }
  func.func @transform_3(%arg0: i32) -> (i32, i32) {
    %c0_i32 = arith.constant 0 : i32
    %c0_i32_0 = arith.constant 0 : i32
    return %arg0, %c0_i32 : i32, i32
  }
  func.func @transform_4(%arg0: i32) -> (i32, i32) {
    %c0_i32 = arith.constant 0 : i32
    %c0_i32_0 = arith.constant 0 : i32
    %c0_i32_1 = arith.constant 0 : i32
    return %c0_i32, %c0_i32_0 : i32, i32
  }
  func.func @transform_5(%arg0: i32) -> (i32, i32) {
    %c0_i32 = arith.constant 0 : i32
    %c0_i32_0 = arith.constant 0 : i32
    %c0_i32_1 = arith.constant 0 : i32
    return %c0_i32, %c0_i32_0 : i32, i32
  }
  func.func @transform_6(%arg0: i32) -> (i32, i32) {
    %c0_i32 = arith.constant 0 : i32
    %c0_i32_0 = arith.constant 0 : i32
    %c0_i32_1 = arith.constant 0 : i32
    return %c0_i32, %c0_i32_0 : i32, i32
  }
  func.func @transform_7(%arg0: i32) -> (i32, i32) {
    %c0_i32 = arith.constant 0 : i32
    %c0_i32_0 = arith.constant 0 : i32
    %c0_i32_1 = arith.constant 0 : i32
    return %c0_i32, %c0_i32_0 : i32, i32
  }
  func.func @transform_8(%arg0: i32) -> (i32, i32) {
    %c0_i32 = arith.constant 0 : i32
    %c0_i32_0 = arith.constant 0 : i32
    %c0_i32_1 = arith.constant 0 : i32
    return %c0_i32, %c0_i32_0 : i32, i32
  }
  func.func @transform_9(%arg0: i32) -> (i32, i32) {
    %c0_i32 = arith.constant 0 : i32
    %c0_i32_0 = arith.constant 0 : i32
    %c0_i32_1 = arith.constant 0 : i32
    return %c0_i32, %c0_i32_0 : i32, i32
  }
  func.func @transform_10(%arg0: i32) -> (i32, i32) {
    %c0_i32 = arith.constant 0 : i32
    %c0_i32_0 = arith.constant 0 : i32
    %c0_i32_1 = arith.constant 0 : i32
    return %c0_i32, %c0_i32_0 : i32, i32
  }
  func.func @transform_11(%arg0: i32) -> (i32, i32) {
    %c0_i32 = arith.constant 0 : i32
    %c0_i32_0 = arith.constant 0 : i32
    %c0_i32_1 = arith.constant 0 : i32
    return %c0_i32, %c0_i32_0 : i32, i32
  }
  func.func @transform_12(%arg0: i32) -> (i32, i32) {
    %c0_i32 = arith.constant 0 : i32
    %c0_i32_0 = arith.constant 0 : i32
    %c0_i32_1 = arith.constant 0 : i32
    return %c0_i32, %c0_i32_0 : i32, i32
  }
  func.func @transform_13(%arg0: i32) -> (i32, i32) {
    %c0_i32 = arith.constant 0 : i32
    %c0_i32_0 = arith.constant 0 : i32
    %c0_i32_1 = arith.constant 0 : i32
    return %c0_i32, %c0_i32_0 : i32, i32
  }
  func.func @transform_14(%arg0: i32) -> (i32, i32) {
    %c0_i32 = arith.constant 0 : i32
    %c0_i32_0 = arith.constant 0 : i32
    %c0_i32_1 = arith.constant 0 : i32
    return %c0_i32, %c0_i32_0 : i32, i32
  }
  func.func @transform_15(%arg0: i32) -> (i32, i32) {
    %c0_i32 = arith.constant 0 : i32
    %c0_i32_0 = arith.constant 0 : i32
    %c0_i32_1 = arith.constant 0 : i32
    return %c0_i32, %c0_i32_0 : i32, i32
  }
  func.func @transform_16(%arg0: i32) -> (i32, i32) {
    %c0_i32 = arith.constant 0 : i32
    %c0_i32_0 = arith.constant 0 : i32
    %c0_i32_1 = arith.constant 0 : i32
    return %c0_i32, %c0_i32_0 : i32, i32
  }
  func.func @transform_17(%arg0: i32) -> (i32, i32) {
    %c0_i32 = arith.constant 0 : i32
    %c0_i32_0 = arith.constant 0 : i32
    %c0_i32_1 = arith.constant 0 : i32
    return %c0_i32, %c0_i32_0 : i32, i32
  }
  func.func @transform_18(%arg0: i32) -> (i32, i32) {
    %c0_i32 = arith.constant 0 : i32
    %c0_i32_0 = arith.constant 0 : i32
    %c0_i32_1 = arith.constant 0 : i32
    return %c0_i32, %c0_i32_0 : i32, i32
  }
  func.func @transform_19(%arg0: i32) -> (i32, i32) {
    %c0_i32 = arith.constant 0 : i32
    %c0_i32_0 = arith.constant 0 : i32
    %c0_i32_1 = arith.constant 0 : i32
    return %c0_i32, %c0_i32_0 : i32, i32
  }
  func.func @transform_20(%arg0: i32) -> (i32, i32) {
    %c0_i32 = arith.constant 0 : i32
    %c0_i32_0 = arith.constant 0 : i32
    %c0_i32_1 = arith.constant 0 : i32
    return %c0_i32, %c0_i32_0 : i32, i32
  }
  func.func @transform_21(%arg0: i32) -> (i32, i32) {
    %c0_i32 = arith.constant 0 : i32
    %c0_i32_0 = arith.constant 0 : i32
    %c0_i32_1 = arith.constant 0 : i32
    return %c0_i32, %c0_i32_0 : i32, i32
  }
  func.func @transform_22(%arg0: i32) -> (i32, i32) {
    %c0_i32 = arith.constant 0 : i32
    %c0_i32_0 = arith.constant 0 : i32
    %c0_i32_1 = arith.constant 0 : i32
    return %c0_i32, %c0_i32_0 : i32, i32
  }
  func.func @transform_23(%arg0: i32) -> (i32, i32) {
    %c0_i32 = arith.constant 0 : i32
    %c0_i32_0 = arith.constant 0 : i32
    %c0_i32_1 = arith.constant 0 : i32
    return %c0_i32, %c0_i32_0 : i32, i32
  }
  func.func @transform_24(%arg0: i32) -> (i32, i32) {
    %c0_i32 = arith.constant 0 : i32
    %c0_i32_0 = arith.constant 0 : i32
    return %arg0, %c0_i32 : i32, i32
  }
}

</mosaic_0001>

<sc_bundles>
// kernel: kernel.13.cloned.1.call-start
scs
__scs_entry_jumppad:
0x0: {  	(pc) =	sbr.rel $0x88, $3  }
0x1: {  	(tag) =	ssettag $0x0;
	lr =	simm.s32 $0x1  }
0x2: {  	[smem:$0x3F86] =	sst lr;
	_ =	strace $0xD0000000  }
0x3: {  	_ = 	snop  }
0x4: {  	_ = 	snop  }
0x5: {  	_ = 	snop  }
0x6: {  	_ = 	snop  }
0x7: {  	_ = 	snop  }
__scs_overlays_trampoline_lowered:
0x8: {  	[smem:$0x3F95] =	sst s0  }
0x9: {  	[smem:$0x3F96] =	sst s1  }
0xa: {  	[smem:$0x3F97] =	sst s2  }
0xb: {  	[smem:$0x3F98] =	sst s3  }
0xc: {  	[smem:$0x3F99] =	sst s4  }
0xd: {  	[smem:$0x3F9A] =	sst s5  }
0xe: {  	[smem:$0x3F9B] =	sst s6  }
0xf: {  	[smem:$0x3F9C] =	sst s7  }
0x10: {  	[smem:$0x3F9D] =	sst s8  }
0x11: {  	[smem:$0x3F9E] =	sst s9;
	s0 =	simm.s32 @!p0 $0x0  }
0x12: {  	s1 =	sld [smem:$0x3F84];
	s0 =	simm.s32 @p0 $0x1  }
0x13: {  	[smem:$0x3F9F] =	sst s0;
	s0 =	simm.s32 @!p1 $0x0  }
0x14: {  	s2 =	sld [smem:$0x3F83];
	s0 =	simm.s32 @p1 $0x1  }
0x15: {  	[smem:$0x3FA0] =	sst s0;
	s0 =	simm.s32 @!p2 $0x0  }
0x16: {  	s3 =	sld [smem:$0x3FDB];
	s0 =	simm.s32 @p2 $0x1  }
0x17: {  	s4 =	simm.s32 $0x1BF5;
	[smem:$0x3FA2] =	sst s0  }
0x18: {  	s0 =	sld [smem:$0x3F85];
	_ =	swait.ge [sflag:s4], $0x0  }
0x19: {  	s7 =	sld [smem:$0x3F86]  }
0x1a: {  	s8 =	sadd.s32 $0xFFFFE003, lr  }
0x1b: {  	s9 =	sadd.s32 $0xFFFFFEF7, lr;
	s5 =	simm.s32 $0xFFFFFFFF;
	p2 =	slt.u32 s8, $0xFFFFF086  }
0x1c: {  	p1 =	slt.u32 s9, $0xF7A;
	s5 =	simm.s32 @!p2 $0x0  }
0x1d: {  	s5 =	simm.s32 @p1 $0x1;
	p0 =	seq.s32 s7, s2  }
0x1e: {  	s7 =	smul.u32 @!p0 $0xF7A, s2;
	p2 =	seq.s32 @!p0 s5, $0x0  }
0x1f: {  	s9 =	smul.u32 $0xF7A, s1;
	s8 =	simm.s32 @!p0 $0x1BF5;
	p2 =	por !p2, p0  }
0x20: {  	[sflag:s8] =	ssyncset.s32 @!p0 $0xFFFFF086;
	s6 =	sadd.s32 @!p0 s3, s7;
	s7 =	simm.s32 @!p0 $0x108  }
0x21: {  	s3 =	sadd.s32 s3, s9;
	s6 =	sadd.s32 @!p0 $0x88, s6;
	s7 =	simm.s32 @p2 $0x1082  }
0x22: {  	[simem:s7], [sflag:s8] =	dma.local @!p0 [hbm:s6], $0xF7A  }
0x23: {  	s9 =	sor.u32 $0xD0000000, s2;
	s6 =	simm.s32 $0x108;
	_ =	swait.ge @!p0 [sflag:s8], $0x0  }
0x24: {  	s3 =	sadd.s32 $0x88, s3;
	s6 =	simm.s32 @!p1 $0x1082;
	[sflag:s4] =	ssyncset.s32 $0xFFFFF086  }
0x25: {  	[simem:s6], [sflag:s4] =	dma.local [hbm:s3], $0xF7A  }
0x26: {  	[smem:$0x3F86] =	sst s1;
	(tag) =	ssettag s2;
	_ =	strace s9  }
0x27: {  	s1 =	sld [smem:$0x3F96]  }
0x28: {  	s2 =	sld [smem:$0x3F97]  }
0x29: {  	s4 =	sld [smem:$0x3F99]  }
0x2a: {  	p0 =	seq.s32 s5, $0x0;
	s5 =	sld [smem:$0x3F9A]  }
0x2b: {  	s6 =	sld [smem:$0x3F9B]  }
0x2c: {  	s7 =	sld [smem:$0x3F9C]  }
0x2d: {  	s3 =	simm.s32 $0x108;
	s8 =	sld [smem:$0x3F9D]  }
0x2e: {  	s3 =	simm.s32 @!p0 $0x1082;
	s9 =	sld [smem:$0x3F9E]  }
0x2f: {  	lr =	sadd.s32 s0, s3;
	s0 =	sld [smem:$0x3F95]  }
0x30: {  	s3 =	sld [smem:$0x3F98]  }
0x31: {  	[smem:$0x3FA1] =	sst s10  }
0x32: {  	s10 =	sld [smem:$0x3F9F];
	_ =	sdelay $0x3  }
0x33: {  	p0 =	seq.s32 s10, $0x1;
	s10 =	sld [smem:$0x3FA1];
	_ =	sdelay $0x3  }
0x34: {  	[smem:$0x3FA1] =	sst s10  }
0x35: {  	s10 =	sld [smem:$0x3FA0];
	_ =	sdelay $0x3  }
0x36: {  	p1 =	seq.s32 s10, $0x1;
	s10 =	sld [smem:$0x3FA1];
	_ =	sdelay $0x3  }
0x37: {  	[smem:$0x3FA1] =	sst s10  }
0x38: {  	s10 =	sld [smem:$0x3FA2]  }
0x39: {  	_ = 	snop;
	(pc) =	sbr.ind lr, $3  }
0x3a: {  	_ = 	snop  }
0x3b: {  	_ = 	snop  }
0x3c: {  	p2 =	seq.s32 s10, $0x1;
	s10 =	sld [smem:$0x3FA1]  }
0x3d: {  	_ =	shalt  }
0x3e: {  	_ =	shalt  }
0x3f: {  	_ =	shalt  }
0x40: {  	_ =	shalt  }
0x41: {  	_ =	shalt  }
0x42: {  	_ =	shalt  }
0x43: {  	_ =	shalt  }
0x44: {  	_ =	shalt  }
0x45: {  	_ =	shalt  }
0x46: {  	_ =	shalt  }
0x47: {  	_ =	shalt  }
0x48: {  	_ =	shalt  }
0x49: {  	_ =	shalt  }
0x4a: {  	_ =	shalt  }
0x4b: {  	_ =	shalt  }
0x4c: {  	_ =	shalt  }
0x4d: {  	_ =	shalt  }
0x4e: {  	_ =	shalt  }
0x4f: {  	_ =	shalt  }
0x50: {  	_ =	shalt  }
0x51: {  	_ =	shalt  }
0x52: {  	_ =	shalt  }
0x53: {  	_ =	shalt  }
0x54: {  	_ =	shalt  }
0x55: {  	_ =	shalt  }
0x56: {  	_ =	shalt  }
0x57: {  	_ =	shalt  }
0x58: {  	_ =	shalt  }
0x59: {  	_ =	shalt  }
0x5a: {  	_ =	shalt  }
0x5b: {  	_ =	shalt  }
0x5c: {  	_ =	shalt  }
0x5d: {  	_ =	shalt  }
0x5e: {  	_ =	shalt  }
0x5f: {  	_ =	shalt  }
0x60: {  	_ =	shalt  }
0x61: {  	_ =	shalt  }
0x62: {  	_ =	shalt  }
0x63: {  	_ =	shalt  }
0x64: {  	_ =	shalt  }
0x65: {  	_ =	shalt  }
0x66: {  	_ =	shalt  }
0x67: {  	_ =	shalt  }
0x68: {  	_ =	shalt  }
0x69: {  	_ =	shalt  }
0x6a: {  	_ =	shalt  }
0x6b: {  	_ =	shalt  }
0x6c: {  	_ =	shalt  }
0x6d: {  	_ =	shalt  }
0x6e: {  	_ =	shalt  }
0x6f: {  	_ =	shalt  }
0x70: {  	_ =	shalt  }
0x71: {  	_ =	shalt  }
0x72: {  	_ =	shalt  }
0x73: {  	_ =	shalt  }
0x74: {  	_ =	shalt  }
0x75: {  	_ =	shalt  }
0x76: {  	_ =	shalt  }
0x77: {  	_ =	shalt  }
0x78: {  	_ =	shalt  }
0x79: {  	_ =	shalt  }
0x7a: {  	_ =	shalt  }
0x7b: {  	_ =	shalt  }
0x7c: {  	_ =	shalt  }
0x7d: {  	_ =	shalt  }
0x7e: {  	_ =	shalt  }
0x7f: {  	_ =	shalt  }
0x80: {  	_ =	shalt  }
0x81: {  	_ =	shalt  }
0x82: {  	_ =	shalt  }
0x83: {  	_ =	shalt  }
0x84: {  	_ =	shalt  }
0x85: {  	_ =	shalt  }
0x86: {  	_ =	shalt  }
0x87: {  	_ =	shalt  }
.Lfunc_end0:
.L_simem_size_0:
called_computation_lowered:
.L_overlay_start_0:
0x88: {  	s2 =	sld [smem:$0x3FD9]  }
0x89: {  	s3 =	sld [smem:$0x3FFE];
	_ =	sdelay $0x1  }
0x8a: {  	s1 =	srdreg.scid  }
0x8b: {  	s0 =	sand.u32 $0x1, s1  }
0x8c: {  	s17 =	sshll.u32 s0, $0xA;
	s2 =	sadd.s32 s3, s2  }
0x8d: {  	s2 =	sadd.s32 s2, s17  }
0x8e: {  	[smem:$0x3FAD] =	sst s2  }
0x8f: {  	_ = 	snop  }
0x90: {  	(tm) =	ssettm $0x1  }
0x91: {  	s18 =	sld [smem:$0x3FFB];
	_ =	sdelay $0x3  }
0x92: {  	_ =	strace s18  }
0x93: {  	s2 =	sld [smem:$0x3FFC];
	_ =	sdelay $0x3  }
0x94: {  	_ =	strace s2  }
0x95: {  	s2 =	sld [smem:$0x3FFD];
	_ =	sdelay $0x3  }
0x96: {  	_ =	strace s2  }
0x97: {  	_ =	strace $0x8FFFFFFF  }
0x98: {  	s19 =	sld [smem:$0x3FDB];
	_ =	sdelay $0x1  }
0x99: {  	s20 =	simm.s32 $_scs_section_size  }
0x9a: {  	s4 =	simm.s32 $_size__tile_overlayer_lowered;
	s5 =	simm.s32 $_tile_overlayer_lowered  }
0x9b: {  	s6 =	simm.s32 $0x1BFF;
	s21 =	sshll.u32 s5, $0x1;
	s3 =	sadd.s32 s20, s19  }
0x9c: {  	s22 =	simm.s32 $0x0;
	s4 =	sshll.u32 s4, $0x1;
	s5 =	sadd.s32 s21, s3  }
0x9d: {  	[timem:s22], [sflag:s6] =	dma.local [hbm:s5], s4  }
0x9e: {  	_ =	swait.ge [sflag:s6], s4  }
0x9f: {  	s4 =	ssub.s32 $0x0, s4;
	[sflag:s6] =	ssyncset.done $0x0  }
0xa0: {  	[sflag:s6] =	ssyncadd.s32 s4;
	_ =	sdelay $0x1  }
0xa1: {  	s23 =	simm.s32 $0x1B8B  }
0xa2: {  	_ =	swait.ge [sflag:s23], $0x1  }
0xa3: {  	[sflag:s23] =	ssyncset.done $0x0  }
0xa4: {  	[sflag:s23] =	ssyncadd.s32 $0xFFFFFFFF  }
0xa5: {  	s4 =	sld [smem:$0x0]  }
0xa6: {  	s5 =	sand.u32 $0xFFFFFFFE, s1  }
0xa7: {  	p0 =	sne.s32 s1, s5  }
0xa8: {  	s5 =	sshll.u32 @p0 s5, $0xE  }
0xa9: {  	s5 =	sadd.s32 @p0 $0x11B8D, s5;
	s6 =	sshll.u32 @p0 s4, $0x11  }
0xaa: {  	s5 =	sor.u32 @p0 s6, s5  }
0xab: {  	[sflag:s5] =	ssyncadd.remote.s32 @p0 $0x1;
	_ =	sdelay $0x1  }
0xac: {  	s5 =	simm.s32 @p0 $0x1B8D  }
0xad: {  	_ =	swait.eq @p0 [sflag:s5], $0x1  }
0xae: {  	[sflag:s5] =	ssyncadd.s32 @p0 $0xFFFFFFFF  }
0xaf: {  	s6 =	sshll.u32 @!p0 s1, $0xE  }
0xb0: {  	s6 =	sor.u32 @!p0 $0x4000, s6;
	s5 =	simm.s32 @!p0 $0x1B8D  }
0xb1: {  	s4 =	sshll.u32 @!p0 s4, $0x11;
	s6 =	sadd.s32 @!p0 $0x11B8D, s6;
	_ =	swait.eq @!p0 [sflag:s5], $0x1  }
0xb2: {  	s4 =	sor.u32 @!p0 s4, s6;
	[sflag:s5] =	ssyncadd.s32 @!p0 $0xFFFFFFFF  }
0xb3: {  	s25 =	simm.s32 $0x1B8E;
	s24 =	sld [smem:$0x3FFE];
	[sflag:s4] =	ssyncadd.remote.s32 @!p0 $0x1  }
0xb4: {  	s26 =	simm.s32 $execute0_lowered;
	[smem:$0x3FD2] =	sst s25  }
0xb5: {  	s5 =	sshll.u32 s26, $0x1;
	_ =	strace $0x80000049;
	[dreg:$0x1] =	wrdreg $0xFFFFFFFF  }
0xb6: {  	s28 =	simm.s32 $_size_execute0_lowered;
	s3 =	sadd.s32 s3, s5;
	[dreg:$0x0] =	wrdreg $0x0  }
0xb7: {  	s5 =	sshll.u32 s28, $0x1;
	[dreg:$0x2] =	wrdreg s3  }
0xb8: {  	[dreg:$0x3] =	wrdreg s5  }
0xb9: {  	[dreg:$0x4] =	wrdreg $0xC0  }
0xba: {  	_ =	task [dreg:s22], $0x5FFFF  }
0xbb: {  	[dreg:$0x1] =	wrdreg $0xFFFFFFFF  }
0xbc: {  	[dreg:$0x0] =	wrdreg $0x60  }
0xbd: {  	[dreg:$0x2] =	wrdreg s24  }
0xbe: {  	[dreg:$0x3] =	wrdreg $0x9  }
0xbf: {  	_ =	task.clear_ibuf [dreg:s22], $0x4FFFF;
	_ =	strace $0x90000049  }
0xc0: {  	s29 =	simm.s32 $0x9;
	_ =	strace $0x8000004B  }
0xc1: {  	_ =	swait.ge [sflag:s29], $0x1  }
0xc2: {  	[sflag:s29] =	ssyncadd.s32 $0xFFFFFFFF  }
0xc3: {  	_ =	strace $0x9000004B  }
0xc4: {  	_ =	sfence  }
0xc5: {  	s30 =	sld [smem:$0x0];
	_ =	sdelay $0x2  }
0xc6: {  	s31 =	sshll.u32 s1, $0xD;
	s1 =	sshrl.u32 s1, $0x2  }
0xc7: {  	s4 =	sand.u32 $0x4000, s31;
	s1 =	sadd.s32 s1, s30  }
0xc8: {  	s0 =	sor.u32 s4, s0;
	s1 =	sshll.u32 s1, $0x11  }
0xc9: {  	s0 =	sor.u32 s1, s0  }
0xca: {  	s0 =	sadd.s32 $0x8F2B, s0  }
0xcb: {  	[sflag:s0] =	ssyncadd.remote.s32 $0x1  }
0xcc: {  	_ =	sfence.sel $0xFFFF  }
0xcd: {  	[dreg:$0x0] =	wrdreg $0xFFFFFFFF;
	(pc) =	sbr.abs _section_cstart, $3  }
0xce: {  	[dreg:$0x1] =	wrdreg $0xFFFFFFFF  }
0xcf: {  	_ =	task.clear_ibuf [dreg:s22], $0x2FFFF;
	_ =	strace $0x9FFFFFFF  }
0xd0: {  	(tm) =	ssettm $0x7FFFFFFF  }
0xd1: {  	_ =	shalt  }
tec
execute0_lowered:
.L_overlay_start_1:
0x0: {  	(tag) =	ssettag $0x1  }
0x1: {  	s1 =	srdreg.scid;
	s0 =	stileid.u32  }
0x2: {  	s17 =	sand.u32 $0x1, s1;
	s26 =	sshll.u32 s0, $0x1  }
0x3: {  	s9 =	sor.u32 s17, s26  }
0x4: {  	s10 =	rddreg [dreg:$0x0];
	s18 =	smul.u32 $0x1388, s9  }
0x5: {  	s2 =	simm.s32 $0x0;
	s1 =	rddreg [dreg:$0x1]  }
0x6: {  	[smem:$0x7FF] =	sst s2;
	s16 =	sadd.s32 $0xF4A00, s10;
	s3 =	sshrl.u32 s18, $0x3  }
0x7: {  	_ =	strace $0x8000004A;
	s4 =	sadd.s32 s16, s3;
	s3 =	simm.s32 $0x2  }
0x8: {  	[tilespmem:s2], [sflag:$0x2] =	stream.linear.gather [hbm4b:s4+s2], $0x3E8, $0x38;
	[tilespmem:$0x1F800] =	vst v63  }
0x9: {  	_ =	swait.ge [sflag:s3], $0x3E8  }
0xa: {  	s6 =	simm.s32 $0x3E8;
	s7 =	simm.s32 $0x400;
	[sflag:s3] =	ssyncset.done $0x0  }
0xb: {  	s8 =	simm.s32 $0x1;
	s5 =	sadd.s32 $0x411200, s10;
	[sflag:s3] =	ssyncadd.s32 $0xFFFFFC18  }
0xc: {  	[tilespmem:s7], [sflag:$0x1] =	stream.indirect.gather [hbm4b:s5+s6], $0x80, s2, s6, $0xb8;
	[tilespmem:$0x1F800] =	vst v63  }
0xd: {  	s9 =	smul.u32 $0x13880, s9;
	_ =	swait.ge [sflag:s8], $0x1F400  }
0xe: {  	s19 =	sadd.s32 $0x745800, s10;
	[sflag:s8] =	ssyncset.done $0x0  }
0xf: {  	s9 =	sadd.s32 s19, s9;
	[sflag:s8] =	ssyncadd.s32 $0xFFFE0C00  }
0x10: {  	[hbm4b:s9+s2] =	stream.linear.scatter [tilespmem:s7], [sflag:$0x2], $0x1F400, $0x38;
	[tilespmem:$0x1F800] =	vst v63  }
0x11: {  	s11 =	sadd.s32 $0x3E8, s18;
	_ =	swait.ge [sflag:s3], $0x1F400  }
0x12: {  	s28 =	sshrl.u32 s11, $0x3;
	[sflag:s3] =	ssyncset.done $0x0  }
0x13: {  	s10 =	sadd.s32 s16, s28;
	[sflag:s3] =	ssyncadd.s32 $0xFFFE0C00  }
0x14: {  	[tilespmem:s2], [sflag:$0x2] =	stream.linear.gather [hbm4b:s10+s2], $0x3E8, $0x38;
	[tilespmem:$0x1F800] =	vst v63  }
0x15: {  	_ =	swait.ge [sflag:s3], $0x3E8  }
0x16: {  	[sflag:s3] =	ssyncset.done $0x0  }
0x17: {  	[sflag:s3] =	ssyncadd.s32 $0xFFFFFC18  }
0x18: {  	[tilespmem:s7], [sflag:$0x1] =	stream.indirect.gather [hbm4b:s5+s6], $0x80, s2, s6, $0xb8;
	[tilespmem:$0x1F800] =	vst v63  }
0x19: {  	_ =	swait.ge [sflag:s8], $0x1F400  }
0x1a: {  	s11 =	sshll.u32 s11, $0x4;
	[sflag:s8] =	ssyncset.done $0x0  }
0x1b: {  	s11 =	sadd.s32 s19, s11;
	[sflag:s8] =	ssyncadd.s32 $0xFFFE0C00  }
0x1c: {  	[hbm4b:s11+s2] =	stream.linear.scatter [tilespmem:s7], [sflag:$0x2], $0x1F400, $0x38;
	[tilespmem:$0x1F800] =	vst v63  }
0x1d: {  	s13 =	sadd.s32 $0x7D0, s18;
	_ =	swait.ge [sflag:s3], $0x1F400  }
0x1e: {  	s12 =	sshrl.u32 s13, $0x3;
	[sflag:s3] =	ssyncset.done $0x0  }
0x1f: {  	s12 =	sadd.s32 s16, s12;
	[sflag:s3] =	ssyncadd.s32 $0xFFFE0C00  }
0x20: {  	[tilespmem:s2], [sflag:$0x2] =	stream.linear.gather [hbm4b:s12+s2], $0x3E8, $0x38;
	[tilespmem:$0x1F800] =	vst v63  }
0x21: {  	_ =	swait.ge [sflag:s3], $0x3E8  }
0x22: {  	[sflag:s3] =	ssyncset.done $0x0  }
0x23: {  	[sflag:s3] =	ssyncadd.s32 $0xFFFFFC18  }
0x24: {  	[tilespmem:s7], [sflag:$0x1] =	stream.indirect.gather [hbm4b:s5+s6], $0x80, s2, s6, $0xb8;
	[tilespmem:$0x1F800] =	vst v63  }
0x25: {  	_ =	swait.ge [sflag:s8], $0x1F400  }
0x26: {  	s13 =	sshll.u32 s13, $0x4;
	[sflag:s8] =	ssyncset.done $0x0  }
0x27: {  	s13 =	sadd.s32 s19, s13;
	[sflag:s8] =	ssyncadd.s32 $0xFFFE0C00  }
0x28: {  	[hbm4b:s13+s2] =	stream.linear.scatter [tilespmem:s7], [sflag:$0x2], $0x1F400, $0x38;
	[tilespmem:$0x1F800] =	vst v63  }
0x29: {  	s15 =	sadd.s32 $0xBB8, s18;
	_ =	swait.ge [sflag:s3], $0x1F400  }
0x2a: {  	s14 =	sshrl.u32 s15, $0x3;
	[sflag:s3] =	ssyncset.done $0x0  }
0x2b: {  	s14 =	sadd.s32 s16, s14;
	[sflag:s3] =	ssyncadd.s32 $0xFFFE0C00  }
0x2c: {  	[tilespmem:s2], [sflag:$0x2] =	stream.linear.gather [hbm4b:s14+s2], $0x3E8, $0x38;
	[tilespmem:$0x1F800] =	vst v63  }
0x2d: {  	_ =	swait.ge [sflag:s3], $0x3E8  }
0x2e: {  	[sflag:s3] =	ssyncset.done $0x0  }
0x2f: {  	[sflag:s3] =	ssyncadd.s32 $0xFFFFFC18  }
0x30: {  	[tilespmem:s7], [sflag:$0x1] =	stream.indirect.gather [hbm4b:s5+s6], $0x80, s2, s6, $0xb8;
	[tilespmem:$0x1F800] =	vst v63  }
0x31: {  	_ =	swait.ge [sflag:s8], $0x1F400  }
0x32: {  	s15 =	sshll.u32 s15, $0x4;
	[sflag:s8] =	ssyncset.done $0x0  }
0x33: {  	s15 =	sadd.s32 s19, s15;
	[sflag:s8] =	ssyncadd.s32 $0xFFFE0C00  }
0x34: {  	[hbm4b:s15+s2] =	stream.linear.scatter [tilespmem:s7], [sflag:$0x2], $0x1F400, $0x38;
	[tilespmem:$0x1F800] =	vst v63  }
0x35: {  	s18 =	sadd.s32 $0xFA0, s18;
	_ =	swait.ge [sflag:s3], $0x1F400  }
0x36: {  	s20 =	sshrl.u32 s18, $0x3;
	[sflag:s3] =	ssyncset.done $0x0  }
0x37: {  	s17 =	ssub.s32 $0x2, s17;
	s16 =	sadd.s32 s16, s20;
	[sflag:s3] =	ssyncadd.s32 $0xFFFE0C00  }
0x38: {  	[tilespmem:s2], [sflag:$0x2] =	stream.linear.gather [hbm4b:s16+s2], $0x3E8, $0x38;
	[tilespmem:$0x1F800] =	vst v63  }
0x39: {  	s29 =	sshrl.u32 s17, $0x1;
	_ =	swait.ge [sflag:s3], $0x3E8  }
0x3a: {  	s20 =	ssub.s32 s17, s29;
	[sflag:s3] =	ssyncset.done $0x0  }
0x3b: {  	s31 =	smax.u32 s20, $0x1;
	[sflag:s3] =	ssyncadd.s32 $0xFFFFFC18  }
0x3c: {  	[tilespmem:s7], [sflag:$0x1] =	stream.indirect.gather [hbm4b:s5+s6], $0x80, s2, s6, $0xb8;
	[tilespmem:$0x1F800] =	vst v63  }
0x3d: {  	p0 =	sne.s32 s31, $0x1;
	_ =	swait.ge [sflag:s8], $0x1F400  }
.Ltmp0:
0x3e: {  	s30 =	sshll.u32 s18, $0x4;
	[sflag:s8] =	ssyncset.done $0x0;
	(pc) =	sbr.rel @!p0 .LBB2_2-.Ltmp0, $4  }
0x3f: {  	s17 =	sadd.s32 s19, s30;
	[sflag:s8] =	ssyncadd.s32 $0xFFFE0C00  }
0x40: {  	[hbm4b:s17+s2] =	stream.linear.scatter [tilespmem:s7], [sflag:$0x2], $0x1F400, $0x38;
	[tilespmem:$0x1F800] =	vst v63  }
0x41: {  	_ =	swait.ge [sflag:s3], $0x1F400  }
0x42: {  	s18 =	sadd.s32 $0xFFFFFFFF, s31;
	[sflag:s3] =	ssyncset.done $0x0  }
.LBB2_1:
0x43: {  	p0 =	sne.s32 s18, $0x1;
	s18 =	sadd.s32 $0xFFFFFFFF, s18;
	[sflag:s3] =	ssyncadd.s32 $0xFFFE0C00  }
0x44: {  	[tilespmem:s2], [sflag:$0x2] =	stream.linear.gather [hbm4b:s4+s2], $0x3E8, $0x38;
	[tilespmem:$0x1F800] =	vst v63  }
0x45: {  	_ =	swait.ge [sflag:s3], $0x3E8  }
0x46: {  	[sflag:s3] =	ssyncset.done $0x0  }
0x47: {  	[sflag:s3] =	ssyncadd.s32 $0xFFFFFC18  }
0x48: {  	[tilespmem:s7], [sflag:$0x1] =	stream.indirect.gather [hbm4b:s5+s6], $0x80, s2, s6, $0xb8;
	[tilespmem:$0x1F800] =	vst v63  }
0x49: {  	_ =	swait.ge [sflag:s8], $0x1F400  }
0x4a: {  	[sflag:s8] =	ssyncset.done $0x0  }
0x4b: {  	[sflag:s8] =	ssyncadd.s32 $0xFFFE0C00  }
0x4c: {  	[hbm4b:s9+s2] =	stream.linear.scatter [tilespmem:s7], [sflag:$0x2], $0x1F400, $0x38;
	[tilespmem:$0x1F800] =	vst v63  }
0x4d: {  	_ =	swait.ge [sflag:s3], $0x1F400  }
0x4e: {  	[sflag:s3] =	ssyncset.done $0x0  }
0x4f: {  	[sflag:s3] =	ssyncadd.s32 $0xFFFE0C00  }
0x50: {  	[tilespmem:s2], [sflag:$0x2] =	stream.linear.gather [hbm4b:s10+s2], $0x3E8, $0x38;
	[tilespmem:$0x1F800] =	vst v63  }
0x51: {  	_ =	swait.ge [sflag:s3], $0x3E8  }
0x52: {  	[sflag:s3] =	ssyncset.done $0x0  }
0x53: {  	[sflag:s3] =	ssyncadd.s32 $0xFFFFFC18  }
0x54: {  	[tilespmem:s7], [sflag:$0x1] =	stream.indirect.gather [hbm4b:s5+s6], $0x80, s2, s6, $0xb8;
	[tilespmem:$0x1F800] =	vst v63  }
0x55: {  	_ =	swait.ge [sflag:s8], $0x1F400  }
0x56: {  	[sflag:s8] =	ssyncset.done $0x0  }
0x57: {  	[sflag:s8] =	ssyncadd.s32 $0xFFFE0C00  }
0x58: {  	[hbm4b:s11+s2] =	stream.linear.scatter [tilespmem:s7], [sflag:$0x2], $0x1F400, $0x38;
	[tilespmem:$0x1F800] =	vst v63  }
0x59: {  	_ =	swait.ge [sflag:s3], $0x1F400  }
0x5a: {  	[sflag:s3] =	ssyncset.done $0x0  }
0x5b: {  	[sflag:s3] =	ssyncadd.s32 $0xFFFE0C00  }
0x5c: {  	[tilespmem:s2], [sflag:$0x2] =	stream.linear.gather [hbm4b:s12+s2], $0x3E8, $0x38;
	[tilespmem:$0x1F800] =	vst v63  }
0x5d: {  	_ =	swait.ge [sflag:s3], $0x3E8  }
0x5e: {  	[sflag:s3] =	ssyncset.done $0x0  }
0x5f: {  	[sflag:s3] =	ssyncadd.s32 $0xFFFFFC18  }
0x60: {  	[tilespmem:s7], [sflag:$0x1] =	stream.indirect.gather [hbm4b:s5+s6], $0x80, s2, s6, $0xb8;
	[tilespmem:$0x1F800] =	vst v63  }
0x61: {  	_ =	swait.ge [sflag:s8], $0x1F400  }
0x62: {  	[sflag:s8] =	ssyncset.done $0x0  }
0x63: {  	[sflag:s8] =	ssyncadd.s32 $0xFFFE0C00  }
0x64: {  	[hbm4b:s13+s2] =	stream.linear.scatter [tilespmem:s7], [sflag:$0x2], $0x1F400, $0x38;
	[tilespmem:$0x1F800] =	vst v63  }
0x65: {  	_ =	swait.ge [sflag:s3], $0x1F400  }
0x66: {  	[sflag:s3] =	ssyncset.done $0x0  }
0x67: {  	[sflag:s3] =	ssyncadd.s32 $0xFFFE0C00  }
0x68: {  	[tilespmem:s2], [sflag:$0x2] =	stream.linear.gather [hbm4b:s14+s2], $0x3E8, $0x38;
	[tilespmem:$0x1F800] =	vst v63  }
0x69: {  	_ =	swait.ge [sflag:s3], $0x3E8  }
0x6a: {  	[sflag:s3] =	ssyncset.done $0x0  }
0x6b: {  	[sflag:s3] =	ssyncadd.s32 $0xFFFFFC18  }
0x6c: {  	[tilespmem:s7], [sflag:$0x1] =	stream.indirect.gather [hbm4b:s5+s6], $0x80, s2, s6, $0xb8;
	[tilespmem:$0x1F800] =	vst v63  }
0x6d: {  	_ =	swait.ge [sflag:s8], $0x1F400  }
0x6e: {  	[sflag:s8] =	ssyncset.done $0x0  }
0x6f: {  	[sflag:s8] =	ssyncadd.s32 $0xFFFE0C00  }
0x70: {  	[hbm4b:s15+s2] =	stream.linear.scatter [tilespmem:s7], [sflag:$0x2], $0x1F400, $0x38;
	[tilespmem:$0x1F800] =	vst v63  }
0x71: {  	_ =	swait.ge [sflag:s3], $0x1F400  }
0x72: {  	[sflag:s3] =	ssyncset.done $0x0  }
0x73: {  	[sflag:s3] =	ssyncadd.s32 $0xFFFE0C00  }
0x74: {  	[tilespmem:s2], [sflag:$0x2] =	stream.linear.gather [hbm4b:s16+s2], $0x3E8, $0x38;
	[tilespmem:$0x1F800] =	vst v63  }
0x75: {  	_ =	swait.ge [sflag:s3], $0x3E8  }
0x76: {  	[sflag:s3] =	ssyncset.done $0x0  }
0x77: {  	[sflag:s3] =	ssyncadd.s32 $0xFFFFFC18  }
0x78: {  	[tilespmem:s7], [sflag:$0x1] =	stream.indirect.gather [hbm4b:s5+s6], $0x80, s2, s6, $0xb8;
	[tilespmem:$0x1F800] =	vst v63  }
0x79: {  	_ =	swait.ge [sflag:s8], $0x1F400  }
.Ltmp1:
0x7a: {  	[sflag:s8] =	ssyncset.done $0x0;
	(pc) =	sbr.rel @p0 .LBB2_1-.Ltmp1, $4  }
0x7b: {  	[sflag:s8] =	ssyncadd.s32 $0xFFFE0C00  }
0x7c: {  	[hbm4b:s17+s2] =	stream.linear.scatter [tilespmem:s7], [sflag:$0x2], $0x1F400, $0x38;
	[tilespmem:$0x1F800] =	vst v63  }
0x7d: {  	_ =	swait.ge [sflag:s3], $0x1F400  }
0x7e: {  	[sflag:s3] =	ssyncset.done $0x0  }
.LBB2_2:
0x7f: {  	[sflag:s3] =	ssyncadd.s32 $0xFFFE0C00  }
0x80: {  	_ =	sfence.sel $0x180000  }
0x81: {  	[bflag:$0x0] =	sbarrier.arrive $0xFFFF  }
0x82: {  	p0 =	sne.s32 s0, $0x0;
	_ =	strace $0x9000004A  }
0x83: {  	s0 =	sadd.s32 @!p0 $0x100000, s1;
	[bflag:$0x2] =	sbarrier.arrive $0xFFFF  }
0x84: {  	[sflag:s0] =	ssyncadd.tile.s32 @!p0 $0x1;
	_ =	shalt  }
.Lfunc_end2:
_tile_overlayer_lowered:
.L_overlay_start_2:
0x85: {  	(tag) =	ssettag $0x2  }
0x86: {  	s0 =	rddreg [dreg:$0x0];
	s2 =	stileid.u32  }
0x87: {  	s1 =	rddreg [dreg:$0x1];
	p0 =	sne.s32 s2, $0x0  }
0x88: {  	s3 =	rddreg [dreg:$0x2];
	[bflag:$0x3] =	sbarrier.arrive $0xFFFF;
	s2 =	simm.s32 @!p0 $0x1C02  }
0x89: {  	[timem:s3], [sflag:s2] =	dma.local @!p0 [hbm:s0], s1  }
0x8a: {  	s0 =	simm.s32 @!p0 $0x2  }
0x8b: {  	_ =	swait.ge @!p0 [sflag:s0], s1  }
0x8c: {  	s1 =	ssub.s32 @!p0 $0x0, s1;
	[sflag:s0] =	ssyncset.done @!p0 $0x0  }
0x8d: {  	[sflag:s0] =	ssyncadd.s32 @!p0 s1  }
0x8e: {  	[bflag:$0x3] =	sbarrier.arrive $0xFFFF  }
0x8f: {  	_ =	shalt  }

// kernel: kernel.16.cloned.1.call-start
scs
__scs_entry_jumppad:
0x0: {  	(pc) =	sbr.rel $0x88, $3  }
0x1: {  	(tag) =	ssettag $0x0;
	lr =	simm.s32 $0x1  }
0x2: {  	[smem:$0x3F86] =	sst lr;
	_ =	strace $0xD0000000  }
0x3: {  	_ = 	snop  }
0x4: {  	_ = 	snop  }
0x5: {  	_ = 	snop  }
0x6: {  	_ = 	snop  }
0x7: {  	_ = 	snop  }
__scs_overlays_trampoline_lowered:
0x8: {  	[smem:$0x3F95] =	sst s0  }
0x9: {  	[smem:$0x3F96] =	sst s1  }
0xa: {  	[smem:$0x3F97] =	sst s2  }
0xb: {  	[smem:$0x3F98] =	sst s3  }
0xc: {  	[smem:$0x3F99] =	sst s4  }
0xd: {  	[smem:$0x3F9A] =	sst s5  }
0xe: {  	[smem:$0x3F9B] =	sst s6  }
0xf: {  	[smem:$0x3F9C] =	sst s7  }
0x10: {  	[smem:$0x3F9D] =	sst s8  }
0x11: {  	[smem:$0x3F9E] =	sst s9;
	s0 =	simm.s32 @!p0 $0x0  }
0x12: {  	s1 =	sld [smem:$0x3F84];
	s0 =	simm.s32 @p0 $0x1  }
0x13: {  	[smem:$0x3F9F] =	sst s0;
	s0 =	simm.s32 @!p1 $0x0  }
0x14: {  	s2 =	sld [smem:$0x3F83];
	s0 =	simm.s32 @p1 $0x1  }
0x15: {  	[smem:$0x3FA0] =	sst s0;
	s0 =	simm.s32 @!p2 $0x0  }
0x16: {  	s3 =	sld [smem:$0x3FDB];
	s0 =	simm.s32 @p2 $0x1  }
0x17: {  	s4 =	simm.s32 $0x1BF5;
	[smem:$0x3FA2] =	sst s0  }
0x18: {  	s0 =	sld [smem:$0x3F85];
	_ =	swait.ge [sflag:s4], $0x0  }
0x19: {  	s7 =	sld [smem:$0x3F86]  }
0x1a: {  	s8 =	sadd.s32 $0xFFFFE003, lr  }
0x1b: {  	s9 =	sadd.s32 $0xFFFFFEF7, lr;
	s5 =	simm.s32 $0xFFFFFFFF;
	p2 =	slt.u32 s8, $0xFFFFF086  }
0x1c: {  	p1 =	slt.u32 s9, $0xF7A;
	s5 =	simm.s32 @!p2 $0x0  }
0x1d: {  	s5 =	simm.s32 @p1 $0x1;
	p0 =	seq.s32 s7, s2  }
0x1e: {  	s7 =	smul.u32 @!p0 $0xF7A, s2;
	p2 =	seq.s32 @!p0 s5, $0x0  }
0x1f: {  	s9 =	smul.u32 $0xF7A, s1;
	s8 =	simm.s32 @!p0 $0x1BF5;
	p2 =	por !p2, p0  }
0x20: {  	[sflag:s8] =	ssyncset.s32 @!p0 $0xFFFFF086;
	s6 =	sadd.s32 @!p0 s3, s7;
	s7 =	simm.s32 @!p0 $0x108  }
0x21: {  	s3 =	sadd.s32 s3, s9;
	s6 =	sadd.s32 @!p0 $0x88, s6;
	s7 =	simm.s32 @p2 $0x1082  }
0x22: {  	[simem:s7], [sflag:s8] =	dma.local @!p0 [hbm:s6], $0xF7A  }
0x23: {  	s9 =	sor.u32 $0xD0000000, s2;
	s6 =	simm.s32 $0x108;
	_ =	swait.ge @!p0 [sflag:s8], $0x0  }
0x24: {  	s3 =	sadd.s32 $0x88, s3;
	s6 =	simm.s32 @!p1 $0x1082;
	[sflag:s4] =	ssyncset.s32 $0xFFFFF086  }
0x25: {  	[simem:s6], [sflag:s4] =	dma.local [hbm:s3], $0xF7A  }
0x26: {  	[smem:$0x3F86] =	sst s1;
	(tag) =	ssettag s2;
	_ =	strace s9  }
0x27: {  	s1 =	sld [smem:$0x3F96]  }
0x28: {  	s2 =	sld [smem:$0x3F97]  }
0x29: {  	s4 =	sld [smem:$0x3F99]  }
0x2a: {  	p0 =	seq.s32 s5, $0x0;
	s5 =	sld [smem:$0x3F9A]  }
0x2b: {  	s6 =	sld [smem:$0x3F9B]  }
0x2c: {  	s7 =	sld [smem:$0x3F9C]  }
0x2d: {  	s3 =	simm.s32 $0x108;
	s8 =	sld [smem:$0x3F9D]  }
0x2e: {  	s3 =	simm.s32 @!p0 $0x1082;
	s9 =	sld [smem:$0x3F9E]  }
0x2f: {  	lr =	sadd.s32 s0, s3;
	s0 =	sld [smem:$0x3F95]  }
0x30: {  	s3 =	sld [smem:$0x3F98]  }
0x31: {  	[smem:$0x3FA1] =	sst s10  }
0x32: {  	s10 =	sld [smem:$0x3F9F];
	_ =	sdelay $0x3  }
0x33: {  	p0 =	seq.s32 s10, $0x1;
	s10 =	sld [smem:$0x3FA1];
	_ =	sdelay $0x3  }
0x34: {  	[smem:$0x3FA1] =	sst s10  }
0x35: {  	s10 =	sld [smem:$0x3FA0];
	_ =	sdelay $0x3  }
0x36: {  	p1 =	seq.s32 s10, $0x1;
	s10 =	sld [smem:$0x3FA1];
	_ =	sdelay $0x3  }
0x37: {  	[smem:$0x3FA1] =	sst s10  }
0x38: {  	s10 =	sld [smem:$0x3FA2]  }
0x39: {  	_ = 	snop;
	(pc) =	sbr.ind lr, $3  }
0x3a: {  	_ = 	snop  }
0x3b: {  	_ = 	snop  }
0x3c: {  	p2 =	seq.s32 s10, $0x1;
	s10 =	sld [smem:$0x3FA1]  }
0x3d: {  	_ =	shalt  }
0x3e: {  	_ =	shalt  }
0x3f: {  	_ =	shalt  }
0x40: {  	_ =	shalt  }
0x41: {  	_ =	shalt  }
0x42: {  	_ =	shalt  }
0x43: {  	_ =	shalt  }
0x44: {  	_ =	shalt  }
0x45: {  	_ =	shalt  }
0x46: {  	_ =	shalt  }
0x47: {  	_ =	shalt  }
0x48: {  	_ =	shalt  }
0x49: {  	_ =	shalt  }
0x4a: {  	_ =	shalt  }
0x4b: {  	_ =	shalt  }
0x4c: {  	_ =	shalt  }
0x4d: {  	_ =	shalt  }
0x4e: {  	_ =	shalt  }
0x4f: {  	_ =	shalt  }
0x50: {  	_ =	shalt  }
0x51: {  	_ =	shalt  }
0x52: {  	_ =	shalt  }
0x53: {  	_ =	shalt  }
0x54: {  	_ =	shalt  }
0x55: {  	_ =	shalt  }
0x56: {  	_ =	shalt  }
0x57: {  	_ =	shalt  }
0x58: {  	_ =	shalt  }
0x59: {  	_ =	shalt  }
0x5a: {  	_ =	shalt  }
0x5b: {  	_ =	shalt  }
0x5c: {  	_ =	shalt  }
0x5d: {  	_ =	shalt  }
0x5e: {  	_ =	shalt  }
0x5f: {  	_ =	shalt  }
0x60: {  	_ =	shalt  }
0x61: {  	_ =	shalt  }
0x62: {  	_ =	shalt  }
0x63: {  	_ =	shalt  }
0x64: {  	_ =	shalt  }
0x65: {  	_ =	shalt  }
0x66: {  	_ =	shalt  }
0x67: {  	_ =	shalt  }
0x68: {  	_ =	shalt  }
0x69: {  	_ =	shalt  }
0x6a: {  	_ =	shalt  }
0x6b: {  	_ =	shalt  }
0x6c: {  	_ =	shalt  }
0x6d: {  	_ =	shalt  }
0x6e: {  	_ =	shalt  }
0x6f: {  	_ =	shalt  }
0x70: {  	_ =	shalt  }
0x71: {  	_ =	shalt  }
0x72: {  	_ =	shalt  }
0x73: {  	_ =	shalt  }
0x74: {  	_ =	shalt  }
0x75: {  	_ =	shalt  }
0x76: {  	_ =	shalt  }
0x77: {  	_ =	shalt  }
0x78: {  	_ =	shalt  }
0x79: {  	_ =	shalt  }
0x7a: {  	_ =	shalt  }
0x7b: {  	_ =	shalt  }
0x7c: {  	_ =	shalt  }
0x7d: {  	_ =	shalt  }
0x7e: {  	_ =	shalt  }
0x7f: {  	_ =	shalt  }
0x80: {  	_ =	shalt  }
0x81: {  	_ =	shalt  }
0x82: {  	_ =	shalt  }
0x83: {  	_ =	shalt  }
0x84: {  	_ =	shalt  }
0x85: {  	_ =	shalt  }
0x86: {  	_ =	shalt  }
0x87: {  	_ =	shalt  }
.Lfunc_end0:
.L_simem_size_0:
called_computation.1_lowered:
.L_overlay_start_0:
0x88: {  	s2 =	sld [smem:$0x3FD9]  }
0x89: {  	s3 =	sld [smem:$0x3FFE];
	_ =	sdelay $0x1  }
0x8a: {  	s1 =	srdreg.scid  }
0x8b: {  	s0 =	sand.u32 $0x1, s1  }
0x8c: {  	s16 =	sshll.u32 s0, $0xA;
	s2 =	sadd.s32 s3, s2  }
0x8d: {  	s2 =	sadd.s32 s2, s16  }
0x8e: {  	[smem:$0x3FAD] =	sst s2  }
0x8f: {  	_ = 	snop  }
0x90: {  	(tm) =	ssettm $0x1  }
0x91: {  	s17 =	sld [smem:$0x3FFB];
	_ =	sdelay $0x3  }
0x92: {  	_ =	strace s17  }
0x93: {  	s2 =	sld [smem:$0x3FFC];
	_ =	sdelay $0x3  }
0x94: {  	_ =	strace s2  }
0x95: {  	s2 =	sld [smem:$0x3FFD];
	_ =	sdelay $0x3  }
0x96: {  	_ =	strace s2  }
0x97: {  	_ =	strace $0x8FFFFFFF  }
0x98: {  	s18 =	sld [smem:$0x3FDB];
	_ =	sdelay $0x1  }
0x99: {  	s19 =	simm.s32 $_scs_section_size  }
0x9a: {  	s4 =	simm.s32 $_size__tile_overlayer_lowered;
	s5 =	simm.s32 $_tile_overlayer_lowered  }
0x9b: {  	s22 =	simm.s32 $0x1BFF;
	s21 =	sshll.u32 s5, $0x1;
	s2 =	sadd.s32 s19, s18  }
0x9c: {  	s6 =	simm.s32 $0x0;
	s20 =	sshll.u32 s4, $0x1;
	s4 =	sadd.s32 s21, s2  }
0x9d: {  	[timem:s6], [sflag:s22] =	dma.local [hbm:s4], s20  }
0x9e: {  	_ =	swait.ge [sflag:s22], s20  }
0x9f: {  	s3 =	ssub.s32 $0x0, s20;
	[sflag:s22] =	ssyncset.done $0x0  }
0xa0: {  	[sflag:s22] =	ssyncadd.s32 s3;
	_ =	sdelay $0x1  }
0xa1: {  	s23 =	simm.s32 $0x1B8B  }
0xa2: {  	_ =	swait.ge [sflag:s23], $0x1  }
0xa3: {  	[sflag:s23] =	ssyncset.done $0x0  }
0xa4: {  	s25 =	simm.s32 $0x1B8E;
	s24 =	sld [smem:$0x3FFE];
	[sflag:s23] =	ssyncadd.s32 $0xFFFFFFFF  }
0xa5: {  	s26 =	simm.s32 $execute0_lowered;
	[smem:$0x3FD2] =	sst s25  }
0xa6: {  	s4 =	sshll.u32 s26, $0x1;
	_ =	strace $0x80000046;
	[dreg:$0x1] =	wrdreg $0xFFFFFFFF  }
0xa7: {  	s28 =	simm.s32 $_size_execute0_lowered;
	s2 =	sadd.s32 s2, s4;
	[dreg:$0x0] =	wrdreg $0x0  }
0xa8: {  	s4 =	sshll.u32 s28, $0x1;
	[dreg:$0x2] =	wrdreg s2  }
0xa9: {  	[dreg:$0x3] =	wrdreg s4  }
0xaa: {  	[dreg:$0x4] =	wrdreg $0xC0  }
0xab: {  	_ =	task [dreg:s6], $0x5FFFF  }
0xac: {  	[dreg:$0x1] =	wrdreg $0xFFFFFFFF  }
0xad: {  	[dreg:$0x0] =	wrdreg $0x60  }
0xae: {  	[dreg:$0x2] =	wrdreg s24  }
0xaf: {  	[dreg:$0x3] =	wrdreg $0xA  }
0xb0: {  	_ =	task.clear_ibuf [dreg:s6], $0x4FFFF;
	_ =	strace $0x90000046  }
0xb1: {  	s29 =	simm.s32 $0xA;
	_ =	strace $0x80000048  }
0xb2: {  	_ =	swait.ge [sflag:s29], $0x1  }
0xb3: {  	[sflag:s29] =	ssyncadd.s32 $0xFFFFFFFF  }
0xb4: {  	_ =	strace $0x90000048  }
0xb5: {  	_ =	sfence  }
0xb6: {  	s30 =	sld [smem:$0x0];
	_ =	sdelay $0x2  }
0xb7: {  	s31 =	sshll.u32 s1, $0xD;
	s1 =	sshrl.u32 s1, $0x2  }
0xb8: {  	s3 =	sand.u32 $0x4000, s31;
	s1 =	sadd.s32 s1, s30  }
0xb9: {  	s0 =	sor.u32 s3, s0;
	s1 =	sshll.u32 s1, $0x11  }
0xba: {  	s0 =	sor.u32 s1, s0  }
0xbb: {  	s0 =	sadd.s32 $0x8F2B, s0  }
0xbc: {  	[sflag:s0] =	ssyncadd.remote.s32 $0x1  }
0xbd: {  	_ =	sfence.sel $0xFFFF  }
0xbe: {  	[dreg:$0x0] =	wrdreg $0xFFFFFFFF;
	(pc) =	sbr.abs _section_cstart, $3  }
0xbf: {  	[dreg:$0x1] =	wrdreg $0xFFFFFFFF  }
0xc0: {  	_ =	task.clear_ibuf [dreg:s6], $0x2FFFF;
	_ =	strace $0x9FFFFFFF  }
0xc1: {  	(tm) =	ssettm $0x7FFFFFFF  }
tec
execute0_lowered:
.L_overlay_start_1:
0x0: {  	(tag) =	ssettag $0x1  }
0x1: {  	s1 =	srdreg.scid;
	s0 =	stileid.u32  }
0x2: {  	s17 =	sand.u32 $0x1, s1;
	s26 =	sshll.u32 s0, $0x1  }
0x3: {  	s9 =	sor.u32 s17, s26  }
0x4: {  	s10 =	rddreg [dreg:$0x0];
	s18 =	smul.u32 $0x1388, s9  }
0x5: {  	s2 =	simm.s32 $0x0;
	s1 =	rddreg [dreg:$0x1]  }
0x6: {  	[smem:$0x7FF] =	sst s2;
	s16 =	sadd.s32 $0x348C00, s10;
	s3 =	sshrl.u32 s18, $0x3  }
0x7: {  	_ =	strace $0x80000047;
	s4 =	sadd.s32 s16, s3;
	s3 =	simm.s32 $0x2  }
0x8: {  	[tilespmem:s2], [sflag:$0x2] =	stream.linear.gather [hbm4b:s4+s2], $0x3E8, $0x38;
	[tilespmem:$0x1F800] =	vst v63  }
0x9: {  	_ =	swait.ge [sflag:s3], $0x3E8  }
0xa: {  	s6 =	simm.s32 $0x3E8;
	s7 =	simm.s32 $0x400;
	[sflag:s3] =	ssyncset.done $0x0  }
0xb: {  	s8 =	simm.s32 $0x1;
	s5 =	sadd.s32 $0x411200, s10;
	[sflag:s3] =	ssyncadd.s32 $0xFFFFFC18  }
0xc: {  	[tilespmem:s7], [sflag:$0x1] =	stream.indirect.gather [hbm4b:s5+s6], $0x80, s2, s6, $0xb8;
	[tilespmem:$0x1F800] =	vst v63  }
0xd: {  	s9 =	smul.u32 $0x13880, s9;
	_ =	swait.ge [sflag:s8], $0x1F400  }
0xe: {  	s19 =	sadd.s32 $0x4D4800, s10;
	[sflag:s8] =	ssyncset.done $0x0  }
0xf: {  	s9 =	sadd.s32 s19, s9;
	[sflag:s8] =	ssyncadd.s32 $0xFFFE0C00  }
0x10: {  	[hbm4b:s9+s2] =	stream.linear.scatter [tilespmem:s7], [sflag:$0x2], $0x1F400, $0x38;
	[tilespmem:$0x1F800] =	vst v63  }
0x11: {  	s11 =	sadd.s32 $0x3E8, s18;
	_ =	swait.ge [sflag:s3], $0x1F400  }
0x12: {  	s28 =	sshrl.u32 s11, $0x3;
	[sflag:s3] =	ssyncset.done $0x0  }
0x13: {  	s10 =	sadd.s32 s16, s28;
	[sflag:s3] =	ssyncadd.s32 $0xFFFE0C00  }
0x14: {  	[tilespmem:s2], [sflag:$0x2] =	stream.linear.gather [hbm4b:s10+s2], $0x3E8, $0x38;
	[tilespmem:$0x1F800] =	vst v63  }
0x15: {  	_ =	swait.ge [sflag:s3], $0x3E8  }
0x16: {  	[sflag:s3] =	ssyncset.done $0x0  }
0x17: {  	[sflag:s3] =	ssyncadd.s32 $0xFFFFFC18  }
0x18: {  	[tilespmem:s7], [sflag:$0x1] =	stream.indirect.gather [hbm4b:s5+s6], $0x80, s2, s6, $0xb8;
	[tilespmem:$0x1F800] =	vst v63  }
0x19: {  	_ =	swait.ge [sflag:s8], $0x1F400  }
0x1a: {  	s11 =	sshll.u32 s11, $0x4;
	[sflag:s8] =	ssyncset.done $0x0  }
0x1b: {  	s11 =	sadd.s32 s19, s11;
	[sflag:s8] =	ssyncadd.s32 $0xFFFE0C00  }
0x1c: {  	[hbm4b:s11+s2] =	stream.linear.scatter [tilespmem:s7], [sflag:$0x2], $0x1F400, $0x38;
	[tilespmem:$0x1F800] =	vst v63  }
0x1d: {  	s13 =	sadd.s32 $0x7D0, s18;
	_ =	swait.ge [sflag:s3], $0x1F400  }
0x1e: {  	s12 =	sshrl.u32 s13, $0x3;
	[sflag:s3] =	ssyncset.done $0x0  }
0x1f: {  	s12 =	sadd.s32 s16, s12;
	[sflag:s3] =	ssyncadd.s32 $0xFFFE0C00  }
0x20: {  	[tilespmem:s2], [sflag:$0x2] =	stream.linear.gather [hbm4b:s12+s2], $0x3E8, $0x38;
	[tilespmem:$0x1F800] =	vst v63  }
0x21: {  	_ =	swait.ge [sflag:s3], $0x3E8  }
0x22: {  	[sflag:s3] =	ssyncset.done $0x0  }
0x23: {  	[sflag:s3] =	ssyncadd.s32 $0xFFFFFC18  }
0x24: {  	[tilespmem:s7], [sflag:$0x1] =	stream.indirect.gather [hbm4b:s5+s6], $0x80, s2, s6, $0xb8;
	[tilespmem:$0x1F800] =	vst v63  }
0x25: {  	_ =	swait.ge [sflag:s8], $0x1F400  }
0x26: {  	s13 =	sshll.u32 s13, $0x4;
	[sflag:s8] =	ssyncset.done $0x0  }
0x27: {  	s13 =	sadd.s32 s19, s13;
	[sflag:s8] =	ssyncadd.s32 $0xFFFE0C00  }
0x28: {  	[hbm4b:s13+s2] =	stream.linear.scatter [tilespmem:s7], [sflag:$0x2], $0x1F400, $0x38;
	[tilespmem:$0x1F800] =	vst v63  }
0x29: {  	s15 =	sadd.s32 $0xBB8, s18;
	_ =	swait.ge [sflag:s3], $0x1F400  }
0x2a: {  	s14 =	sshrl.u32 s15, $0x3;
	[sflag:s3] =	ssyncset.done $0x0  }
0x2b: {  	s14 =	sadd.s32 s16, s14;
	[sflag:s3] =	ssyncadd.s32 $0xFFFE0C00  }
0x2c: {  	[tilespmem:s2], [sflag:$0x2] =	stream.linear.gather [hbm4b:s14+s2], $0x3E8, $0x38;
	[tilespmem:$0x1F800] =	vst v63  }
0x2d: {  	_ =	swait.ge [sflag:s3], $0x3E8  }
0x2e: {  	[sflag:s3] =	ssyncset.done $0x0  }
0x2f: {  	[sflag:s3] =	ssyncadd.s32 $0xFFFFFC18  }
0x30: {  	[tilespmem:s7], [sflag:$0x1] =	stream.indirect.gather [hbm4b:s5+s6], $0x80, s2, s6, $0xb8;
	[tilespmem:$0x1F800] =	vst v63  }
0x31: {  	_ =	swait.ge [sflag:s8], $0x1F400  }
0x32: {  	s15 =	sshll.u32 s15, $0x4;
	[sflag:s8] =	ssyncset.done $0x0  }
0x33: {  	s15 =	sadd.s32 s19, s15;
	[sflag:s8] =	ssyncadd.s32 $0xFFFE0C00  }
0x34: {  	[hbm4b:s15+s2] =	stream.linear.scatter [tilespmem:s7], [sflag:$0x2], $0x1F400, $0x38;
	[tilespmem:$0x1F800] =	vst v63  }
0x35: {  	s18 =	sadd.s32 $0xFA0, s18;
	_ =	swait.ge [sflag:s3], $0x1F400  }
0x36: {  	s20 =	sshrl.u32 s18, $0x3;
	[sflag:s3] =	ssyncset.done $0x0  }
0x37: {  	s17 =	ssub.s32 $0x2, s17;
	s16 =	sadd.s32 s16, s20;
	[sflag:s3] =	ssyncadd.s32 $0xFFFE0C00  }
0x38: {  	[tilespmem:s2], [sflag:$0x2] =	stream.linear.gather [hbm4b:s16+s2], $0x3E8, $0x38;
	[tilespmem:$0x1F800] =	vst v63  }
0x39: {  	s29 =	sshrl.u32 s17, $0x1;
	_ =	swait.ge [sflag:s3], $0x3E8  }
0x3a: {  	s20 =	ssub.s32 s17, s29;
	[sflag:s3] =	ssyncset.done $0x0  }
0x3b: {  	s31 =	smax.u32 s20, $0x1;
	[sflag:s3] =	ssyncadd.s32 $0xFFFFFC18  }
0x3c: {  	[tilespmem:s7], [sflag:$0x1] =	stream.indirect.gather [hbm4b:s5+s6], $0x80, s2, s6, $0xb8;
	[tilespmem:$0x1F800] =	vst v63  }
0x3d: {  	p0 =	sne.s32 s31, $0x1;
	_ =	swait.ge [sflag:s8], $0x1F400  }
.Ltmp0:
0x3e: {  	s30 =	sshll.u32 s18, $0x4;
	[sflag:s8] =	ssyncset.done $0x0;
	(pc) =	sbr.rel @!p0 .LBB2_2-.Ltmp0, $4  }
0x3f: {  	s17 =	sadd.s32 s19, s30;
	[sflag:s8] =	ssyncadd.s32 $0xFFFE0C00  }
0x40: {  	[hbm4b:s17+s2] =	stream.linear.scatter [tilespmem:s7], [sflag:$0x2], $0x1F400, $0x38;
	[tilespmem:$0x1F800] =	vst v63  }
0x41: {  	_ =	swait.ge [sflag:s3], $0x1F400  }
0x42: {  	s18 =	sadd.s32 $0xFFFFFFFF, s31;
	[sflag:s3] =	ssyncset.done $0x0  }
.LBB2_1:
0x43: {  	p0 =	sne.s32 s18, $0x1;
	s18 =	sadd.s32 $0xFFFFFFFF, s18;
	[sflag:s3] =	ssyncadd.s32 $0xFFFE0C00  }
0x44: {  	[tilespmem:s2], [sflag:$0x2] =	stream.linear.gather [hbm4b:s4+s2], $0x3E8, $0x38;
	[tilespmem:$0x1F800] =	vst v63  }
0x45: {  	_ =	swait.ge [sflag:s3], $0x3E8  }
0x46: {  	[sflag:s3] =	ssyncset.done $0x0  }
0x47: {  	[sflag:s3] =	ssyncadd.s32 $0xFFFFFC18  }
0x48: {  	[tilespmem:s7], [sflag:$0x1] =	stream.indirect.gather [hbm4b:s5+s6], $0x80, s2, s6, $0xb8;
	[tilespmem:$0x1F800] =	vst v63  }
0x49: {  	_ =	swait.ge [sflag:s8], $0x1F400  }
0x4a: {  	[sflag:s8] =	ssyncset.done $0x0  }
0x4b: {  	[sflag:s8] =	ssyncadd.s32 $0xFFFE0C00  }
0x4c: {  	[hbm4b:s9+s2] =	stream.linear.scatter [tilespmem:s7], [sflag:$0x2], $0x1F400, $0x38;
	[tilespmem:$0x1F800] =	vst v63  }
0x4d: {  	_ =	swait.ge [sflag:s3], $0x1F400  }
0x4e: {  	[sflag:s3] =	ssyncset.done $0x0  }
0x4f: {  	[sflag:s3] =	ssyncadd.s32 $0xFFFE0C00  }
0x50: {  	[tilespmem:s2], [sflag:$0x2] =	stream.linear.gather [hbm4b:s10+s2], $0x3E8, $0x38;
	[tilespmem:$0x1F800] =	vst v63  }
0x51: {  	_ =	swait.ge [sflag:s3], $0x3E8  }
0x52: {  	[sflag:s3] =	ssyncset.done $0x0  }
0x53: {  	[sflag:s3] =	ssyncadd.s32 $0xFFFFFC18  }
0x54: {  	[tilespmem:s7], [sflag:$0x1] =	stream.indirect.gather [hbm4b:s5+s6], $0x80, s2, s6, $0xb8;
	[tilespmem:$0x1F800] =	vst v63  }
0x55: {  	_ =	swait.ge [sflag:s8], $0x1F400  }
0x56: {  	[sflag:s8] =	ssyncset.done $0x0  }
0x57: {  	[sflag:s8] =	ssyncadd.s32 $0xFFFE0C00  }
0x58: {  	[hbm4b:s11+s2] =	stream.linear.scatter [tilespmem:s7], [sflag:$0x2], $0x1F400, $0x38;
	[tilespmem:$0x1F800] =	vst v63  }
0x59: {  	_ =	swait.ge [sflag:s3], $0x1F400  }
0x5a: {  	[sflag:s3] =	ssyncset.done $0x0  }
0x5b: {  	[sflag:s3] =	ssyncadd.s32 $0xFFFE0C00  }
0x5c: {  	[tilespmem:s2], [sflag:$0x2] =	stream.linear.gather [hbm4b:s12+s2], $0x3E8, $0x38;
	[tilespmem:$0x1F800] =	vst v63  }
0x5d: {  	_ =	swait.ge [sflag:s3], $0x3E8  }
0x5e: {  	[sflag:s3] =	ssyncset.done $0x0  }
0x5f: {  	[sflag:s3] =	ssyncadd.s32 $0xFFFFFC18  }
0x60: {  	[tilespmem:s7], [sflag:$0x1] =	stream.indirect.gather [hbm4b:s5+s6], $0x80, s2, s6, $0xb8;
	[tilespmem:$0x1F800] =	vst v63  }
0x61: {  	_ =	swait.ge [sflag:s8], $0x1F400  }
0x62: {  	[sflag:s8] =	ssyncset.done $0x0  }
0x63: {  	[sflag:s8] =	ssyncadd.s32 $0xFFFE0C00  }
0x64: {  	[hbm4b:s13+s2] =	stream.linear.scatter [tilespmem:s7], [sflag:$0x2], $0x1F400, $0x38;
	[tilespmem:$0x1F800] =	vst v63  }
0x65: {  	_ =	swait.ge [sflag:s3], $0x1F400  }
0x66: {  	[sflag:s3] =	ssyncset.done $0x0  }
0x67: {  	[sflag:s3] =	ssyncadd.s32 $0xFFFE0C00  }
0x68: {  	[tilespmem:s2], [sflag:$0x2] =	stream.linear.gather [hbm4b:s14+s2], $0x3E8, $0x38;
	[tilespmem:$0x1F800] =	vst v63  }
0x69: {  	_ =	swait.ge [sflag:s3], $0x3E8  }
0x6a: {  	[sflag:s3] =	ssyncset.done $0x0  }
0x6b: {  	[sflag:s3] =	ssyncadd.s32 $0xFFFFFC18  }
0x6c: {  	[tilespmem:s7], [sflag:$0x1] =	stream.indirect.gather [hbm4b:s5+s6], $0x80, s2, s6, $0xb8;
	[tilespmem:$0x1F800] =	vst v63  }
0x6d: {  	_ =	swait.ge [sflag:s8], $0x1F400  }
0x6e: {  	[sflag:s8] =	ssyncset.done $0x0  }
0x6f: {  	[sflag:s8] =	ssyncadd.s32 $0xFFFE0C00  }
0x70: {  	[hbm4b:s15+s2] =	stream.linear.scatter [tilespmem:s7], [sflag:$0x2], $0x1F400, $0x38;
	[tilespmem:$0x1F800] =	vst v63  }
0x71: {  	_ =	swait.ge [sflag:s3], $0x1F400  }
0x72: {  	[sflag:s3] =	ssyncset.done $0x0  }
0x73: {  	[sflag:s3] =	ssyncadd.s32 $0xFFFE0C00  }
0x74: {  	[tilespmem:s2], [sflag:$0x2] =	stream.linear.gather [hbm4b:s16+s2], $0x3E8, $0x38;
	[tilespmem:$0x1F800] =	vst v63  }
0x75: {  	_ =	swait.ge [sflag:s3], $0x3E8  }
0x76: {  	[sflag:s3] =	ssyncset.done $0x0  }
0x77: {  	[sflag:s3] =	ssyncadd.s32 $0xFFFFFC18  }
0x78: {  	[tilespmem:s7], [sflag:$0x1] =	stream.indirect.gather [hbm4b:s5+s6], $0x80, s2, s6, $0xb8;
	[tilespmem:$0x1F800] =	vst v63  }
0x79: {  	_ =	swait.ge [sflag:s8], $0x1F400  }
.Ltmp1:
0x7a: {  	[sflag:s8] =	ssyncset.done $0x0;
	(pc) =	sbr.rel @p0 .LBB2_1-.Ltmp1, $4  }
0x7b: {  	[sflag:s8] =	ssyncadd.s32 $0xFFFE0C00  }
0x7c: {  	[hbm4b:s17+s2] =	stream.linear.scatter [tilespmem:s7], [sflag:$0x2], $0x1F400, $0x38;
	[tilespmem:$0x1F800] =	vst v63  }
0x7d: {  	_ =	swait.ge [sflag:s3], $0x1F400  }
0x7e: {  	[sflag:s3] =	ssyncset.done $0x0  }
.LBB2_2:
0x7f: {  	[sflag:s3] =	ssyncadd.s32 $0xFFFE0C00  }
0x80: {  	_ =	sfence.sel $0x180000  }
0x81: {  	[bflag:$0x0] =	sbarrier.arrive $0xFFFF  }
0x82: {  	p0 =	sne.s32 s0, $0x0;
	_ =	strace $0x90000047  }
0x83: {  	s0 =	sadd.s32 @!p0 $0x100000, s1;
	[bflag:$0x2] =	sbarrier.arrive $0xFFFF  }
0x84: {  	[sflag:s0] =	ssyncadd.tile.s32 @!p0 $0x1;
	_ =	shalt  }
.Lfunc_end2:
_tile_overlayer_lowered:
.L_overlay_start_2:
0x85: {  	(tag) =	ssettag $0x2  }
0x86: {  	s0 =	rddreg [dreg:$0x0];
	s2 =	stileid.u32  }
0x87: {  	s1 =	rddreg [dreg:$0x1];
	p0 =	sne.s32 s2, $0x0  }
0x88: {  	s3 =	rddreg [dreg:$0x2];
	[bflag:$0x3] =	sbarrier.arrive $0xFFFF;
	s2 =	simm.s32 @!p0 $0x1C02  }
0x89: {  	[timem:s3], [sflag:s2] =	dma.local @!p0 [hbm:s0], s1  }
0x8a: {  	s0 =	simm.s32 @!p0 $0x2  }
0x8b: {  	_ =	swait.ge @!p0 [sflag:s0], s1  }
0x8c: {  	s1 =	ssub.s32 @!p0 $0x0, s1;
	[sflag:s0] =	ssyncset.done @!p0 $0x0  }
0x8d: {  	[sflag:s0] =	ssyncadd.s32 @!p0 s1  }
0x8e: {  	[bflag:$0x3] =	sbarrier.arrive $0xFFFF  }
0x8f: {  	_ =	shalt  }

// kernel: kernel.19.cloned.1.call-start
scs
__scs_entry_jumppad:
0x0: {  	(pc) =	sbr.rel $0x88, $3  }
0x1: {  	(tag) =	ssettag $0x0;
	lr =	simm.s32 $0x1  }
0x2: {  	[smem:$0x3F86] =	sst lr;
	_ =	strace $0xD0000000  }
0x3: {  	_ = 	snop  }
0x4: {  	_ = 	snop  }
0x5: {  	_ = 	snop  }
0x6: {  	_ = 	snop  }
0x7: {  	_ = 	snop  }
__scs_overlays_trampoline_lowered:
0x8: {  	[smem:$0x3F95] =	sst s0  }
0x9: {  	[smem:$0x3F96] =	sst s1  }
0xa: {  	[smem:$0x3F97] =	sst s2  }
0xb: {  	[smem:$0x3F98] =	sst s3  }
0xc: {  	[smem:$0x3F99] =	sst s4  }
0xd: {  	[smem:$0x3F9A] =	sst s5  }
0xe: {  	[smem:$0x3F9B] =	sst s6  }
0xf: {  	[smem:$0x3F9C] =	sst s7  }
0x10: {  	[smem:$0x3F9D] =	sst s8  }
0x11: {  	[smem:$0x3F9E] =	sst s9;
	s0 =	simm.s32 @!p0 $0x0  }
0x12: {  	s1 =	sld [smem:$0x3F84];
	s0 =	simm.s32 @p0 $0x1  }
0x13: {  	[smem:$0x3F9F] =	sst s0;
	s0 =	simm.s32 @!p1 $0x0  }
0x14: {  	s2 =	sld [smem:$0x3F83];
	s0 =	simm.s32 @p1 $0x1  }
0x15: {  	[smem:$0x3FA0] =	sst s0;
	s0 =	simm.s32 @!p2 $0x0  }
0x16: {  	s3 =	sld [smem:$0x3FDB];
	s0 =	simm.s32 @p2 $0x1  }
0x17: {  	s4 =	simm.s32 $0x1BF5;
	[smem:$0x3FA2] =	sst s0  }
0x18: {  	s0 =	sld [smem:$0x3F85];
	_ =	swait.ge [sflag:s4], $0x0  }
0x19: {  	s7 =	sld [smem:$0x3F86]  }
0x1a: {  	s8 =	sadd.s32 $0xFFFFE003, lr  }
0x1b: {  	s9 =	sadd.s32 $0xFFFFFEF7, lr;
	s5 =	simm.s32 $0xFFFFFFFF;
	p2 =	slt.u32 s8, $0xFFFFF086  }
0x1c: {  	p1 =	slt.u32 s9, $0xF7A;
	s5 =	simm.s32 @!p2 $0x0  }
0x1d: {  	s5 =	simm.s32 @p1 $0x1;
	p0 =	seq.s32 s7, s2  }
0x1e: {  	s7 =	smul.u32 @!p0 $0xF7A, s2;
	p2 =	seq.s32 @!p0 s5, $0x0  }
0x1f: {  	s9 =	smul.u32 $0xF7A, s1;
	s8 =	simm.s32 @!p0 $0x1BF5;
	p2 =	por !p2, p0  }
0x20: {  	[sflag:s8] =	ssyncset.s32 @!p0 $0xFFFFF086;
	s6 =	sadd.s32 @!p0 s3, s7;
	s7 =	simm.s32 @!p0 $0x108  }
0x21: {  	s3 =	sadd.s32 s3, s9;
	s6 =	sadd.s32 @!p0 $0x88, s6;
	s7 =	simm.s32 @p2 $0x1082  }
0x22: {  	[simem:s7], [sflag:s8] =	dma.local @!p0 [hbm:s6], $0xF7A  }
0x23: {  	s9 =	sor.u32 $0xD0000000, s2;
	s6 =	simm.s32 $0x108;
	_ =	swait.ge @!p0 [sflag:s8], $0x0  }
0x24: {  	s3 =	sadd.s32 $0x88, s3;
	s6 =	simm.s32 @!p1 $0x1082;
	[sflag:s4] =	ssyncset.s32 $0xFFFFF086  }
0x25: {  	[simem:s6], [sflag:s4] =	dma.local [hbm:s3], $0xF7A  }
0x26: {  	[smem:$0x3F86] =	sst s1;
	(tag) =	ssettag s2;
	_ =	strace s9  }
0x27: {  	s1 =	sld [smem:$0x3F96]  }
0x28: {  	s2 =	sld [smem:$0x3F97]  }
0x29: {  	s4 =	sld [smem:$0x3F99]  }
0x2a: {  	p0 =	seq.s32 s5, $0x0;
	s5 =	sld [smem:$0x3F9A]  }
0x2b: {  	s6 =	sld [smem:$0x3F9B]  }
0x2c: {  	s7 =	sld [smem:$0x3F9C]  }
0x2d: {  	s3 =	simm.s32 $0x108;
	s8 =	sld [smem:$0x3F9D]  }
0x2e: {  	s3 =	simm.s32 @!p0 $0x1082;
	s9 =	sld [smem:$0x3F9E]  }
0x2f: {  	lr =	sadd.s32 s0, s3;
	s0 =	sld [smem:$0x3F95]  }
0x30: {  	s3 =	sld [smem:$0x3F98]  }
0x31: {  	[smem:$0x3FA1] =	sst s10  }
0x32: {  	s10 =	sld [smem:$0x3F9F];
	_ =	sdelay $0x3  }
0x33: {  	p0 =	seq.s32 s10, $0x1;
	s10 =	sld [smem:$0x3FA1];
	_ =	sdelay $0x3  }
0x34: {  	[smem:$0x3FA1] =	sst s10  }
0x35: {  	s10 =	sld [smem:$0x3FA0];
	_ =	sdelay $0x3  }
0x36: {  	p1 =	seq.s32 s10, $0x1;
	s10 =	sld [smem:$0x3FA1];
	_ =	sdelay $0x3  }
0x37: {  	[smem:$0x3FA1] =	sst s10  }
0x38: {  	s10 =	sld [smem:$0x3FA2]  }
0x39: {  	_ = 	snop;
	(pc) =	sbr.ind lr, $3  }
0x3a: {  	_ = 	snop  }
0x3b: {  	_ = 	snop  }
0x3c: {  	p2 =	seq.s32 s10, $0x1;
	s10 =	sld [smem:$0x3FA1]  }
0x3d: {  	_ =	shalt  }
0x3e: {  	_ =	shalt  }
0x3f: {  	_ =	shalt  }
0x40: {  	_ =	shalt  }
0x41: {  	_ =	shalt  }
0x42: {  	_ =	shalt  }
0x43: {  	_ =	shalt  }
0x44: {  	_ =	shalt  }
0x45: {  	_ =	shalt  }
0x46: {  	_ =	shalt  }
0x47: {  	_ =	shalt  }
0x48: {  	_ =	shalt  }
0x49: {  	_ =	shalt  }
0x4a: {  	_ =	shalt  }
0x4b: {  	_ =	shalt  }
0x4c: {  	_ =	shalt  }
0x4d: {  	_ =	shalt  }
0x4e: {  	_ =	shalt  }
0x4f: {  	_ =	shalt  }
0x50: {  	_ =	shalt  }
0x51: {  	_ =	shalt  }
0x52: {  	_ =	shalt  }
0x53: {  	_ =	shalt  }
0x54: {  	_ =	shalt  }
0x55: {  	_ =	shalt  }
0x56: {  	_ =	shalt  }
0x57: {  	_ =	shalt  }
0x58: {  	_ =	shalt  }
0x59: {  	_ =	shalt  }
0x5a: {  	_ =	shalt  }
0x5b: {  	_ =	shalt  }
0x5c: {  	_ =	shalt  }
0x5d: {  	_ =	shalt  }
0x5e: {  	_ =	shalt  }
0x5f: {  	_ =	shalt  }
0x60: {  	_ =	shalt  }
0x61: {  	_ =	shalt  }
0x62: {  	_ =	shalt  }
0x63: {  	_ =	shalt  }
0x64: {  	_ =	shalt  }
0x65: {  	_ =	shalt  }
0x66: {  	_ =	shalt  }
0x67: {  	_ =	shalt  }
0x68: {  	_ =	shalt  }
0x69: {  	_ =	shalt  }
0x6a: {  	_ =	shalt  }
0x6b: {  	_ =	shalt  }
0x6c: {  	_ =	shalt  }
0x6d: {  	_ =	shalt  }
0x6e: {  	_ =	shalt  }
0x6f: {  	_ =	shalt  }
0x70: {  	_ =	shalt  }
0x71: {  	_ =	shalt  }
0x72: {  	_ =	shalt  }
0x73: {  	_ =	shalt  }
0x74: {  	_ =	shalt  }
0x75: {  	_ =	shalt  }
0x76: {  	_ =	shalt  }
0x77: {  	_ =	shalt  }
0x78: {  	_ =	shalt  }
0x79: {  	_ =	shalt  }
0x7a: {  	_ =	shalt  }
0x7b: {  	_ =	shalt  }
0x7c: {  	_ =	shalt  }
0x7d: {  	_ =	shalt  }
0x7e: {  	_ =	shalt  }
0x7f: {  	_ =	shalt  }
0x80: {  	_ =	shalt  }
0x81: {  	_ =	shalt  }
0x82: {  	_ =	shalt  }
0x83: {  	_ =	shalt  }
0x84: {  	_ =	shalt  }
0x85: {  	_ =	shalt  }
0x86: {  	_ =	shalt  }
0x87: {  	_ =	shalt  }
.Lfunc_end0:
.L_simem_size_0:
called_computation.2_lowered:
.L_overlay_start_0:
0x88: {  	s2 =	sld [smem:$0x3FD9]  }
0x89: {  	s3 =	sld [smem:$0x3FFE];
	_ =	sdelay $0x1  }
0x8a: {  	s1 =	srdreg.scid  }
0x8b: {  	s0 =	sand.u32 $0x1, s1  }
0x8c: {  	s17 =	sshll.u32 s0, $0xA;
	s2 =	sadd.s32 s3, s2  }
0x8d: {  	s2 =	sadd.s32 s2, s17  }
0x8e: {  	[smem:$0x3FAD] =	sst s2  }
0x8f: {  	_ = 	snop  }
0x90: {  	(tm) =	ssettm $0x1  }
0x91: {  	s18 =	sld [smem:$0x3FFB];
	_ =	sdelay $0x3  }
0x92: {  	_ =	strace s18  }
0x93: {  	s2 =	sld [smem:$0x3FFC];
	_ =	sdelay $0x3  }
0x94: {  	_ =	strace s2  }
0x95: {  	s2 =	sld [smem:$0x3FFD];
	_ =	sdelay $0x3  }
0x96: {  	_ =	strace s2  }
0x97: {  	_ =	strace $0x8FFFFFFF  }
0x98: {  	s19 =	sld [smem:$0x3FDB];
	_ =	sdelay $0x1  }
0x99: {  	s20 =	simm.s32 $_scs_section_size  }
0x9a: {  	s4 =	simm.s32 $_size__tile_overlayer_lowered;
	s5 =	simm.s32 $_tile_overlayer_lowered  }
0x9b: {  	s6 =	simm.s32 $0x1BFF;
	s21 =	sshll.u32 s5, $0x1;
	s3 =	sadd.s32 s20, s19  }
0x9c: {  	s22 =	simm.s32 $0x0;
	s4 =	sshll.u32 s4, $0x1;
	s5 =	sadd.s32 s21, s3  }
0x9d: {  	[timem:s22], [sflag:s6] =	dma.local [hbm:s5], s4  }
0x9e: {  	_ =	swait.ge [sflag:s6], s4  }
0x9f: {  	s4 =	ssub.s32 $0x0, s4;
	[sflag:s6] =	ssyncset.done $0x0  }
0xa0: {  	[sflag:s6] =	ssyncadd.s32 s4;
	_ =	sdelay $0x1  }
0xa1: {  	s23 =	simm.s32 $0x1B8B  }
0xa2: {  	_ =	swait.ge [sflag:s23], $0x1  }
0xa3: {  	[sflag:s23] =	ssyncset.done $0x0  }
0xa4: {  	[sflag:s23] =	ssyncadd.s32 $0xFFFFFFFF  }
0xa5: {  	s4 =	sld [smem:$0x0]  }
0xa6: {  	s5 =	sand.u32 $0xFFFFFFFE, s1  }
0xa7: {  	p0 =	sne.s32 s1, s5  }
0xa8: {  	s5 =	sshll.u32 @p0 s5, $0xE  }
0xa9: {  	s5 =	sadd.s32 @p0 $0x11B8D, s5;
	s6 =	sshll.u32 @p0 s4, $0x11  }
0xaa: {  	s5 =	sor.u32 @p0 s6, s5  }
0xab: {  	[sflag:s5] =	ssyncadd.remote.s32 @p0 $0x1;
	_ =	sdelay $0x1  }
0xac: {  	s5 =	simm.s32 @p0 $0x1B8D  }
0xad: {  	_ =	swait.eq @p0 [sflag:s5], $0x1  }
0xae: {  	[sflag:s5] =	ssyncadd.s32 @p0 $0xFFFFFFFF  }
0xaf: {  	s6 =	sshll.u32 @!p0 s1, $0xE  }
0xb0: {  	s6 =	sor.u32 @!p0 $0x4000, s6;
	s5 =	simm.s32 @!p0 $0x1B8D  }
0xb1: {  	s4 =	sshll.u32 @!p0 s4, $0x11;
	s6 =	sadd.s32 @!p0 $0x11B8D, s6;
	_ =	swait.eq @!p0 [sflag:s5], $0x1  }
0xb2: {  	s4 =	sor.u32 @!p0 s4, s6;
	[sflag:s5] =	ssyncadd.s32 @!p0 $0xFFFFFFFF  }
0xb3: {  	s25 =	simm.s32 $0x1B8E;
	s24 =	sld [smem:$0x3FFE];
	[sflag:s4] =	ssyncadd.remote.s32 @!p0 $0x1  }
0xb4: {  	s26 =	simm.s32 $execute0_lowered;
	[smem:$0x3FD2] =	sst s25  }
0xb5: {  	s5 =	sshll.u32 s26, $0x1;
	_ =	strace $0x8000004C;
	[dreg:$0x1] =	wrdreg $0xFFFFFFFF  }
0xb6: {  	s28 =	simm.s32 $_size_execute0_lowered;
	s3 =	sadd.s32 s3, s5;
	[dreg:$0x0] =	wrdreg $0x0  }
0xb7: {  	s5 =	sshll.u32 s28, $0x1;
	[dreg:$0x2] =	wrdreg s3  }
0xb8: {  	[dreg:$0x3] =	wrdreg s5  }
0xb9: {  	[dreg:$0x4] =	wrdreg $0xC0  }
0xba: {  	_ =	task [dreg:s22], $0x5FFFF  }
0xbb: {  	[dreg:$0x1] =	wrdreg $0xFFFFFFFF  }
0xbc: {  	[dreg:$0x0] =	wrdreg $0x60  }
0xbd: {  	[dreg:$0x2] =	wrdreg s24  }
0xbe: {  	[dreg:$0x3] =	wrdreg $0xB  }
0xbf: {  	_ =	task.clear_ibuf [dreg:s22], $0x4FFFF;
	_ =	strace $0x9000004C  }
0xc0: {  	s29 =	simm.s32 $0xB;
	_ =	strace $0x8000004E  }
0xc1: {  	_ =	swait.ge [sflag:s29], $0x1  }
0xc2: {  	[sflag:s29] =	ssyncadd.s32 $0xFFFFFFFF  }
0xc3: {  	_ =	strace $0x9000004E  }
0xc4: {  	_ =	sfence  }
0xc5: {  	s30 =	sld [smem:$0x0];
	_ =	sdelay $0x2  }
0xc6: {  	s31 =	sshll.u32 s1, $0xD;
	s1 =	sshrl.u32 s1, $0x2  }
0xc7: {  	s4 =	sand.u32 $0x4000, s31;
	s1 =	sadd.s32 s1, s30  }
0xc8: {  	s0 =	sor.u32 s4, s0;
	s1 =	sshll.u32 s1, $0x11  }
0xc9: {  	s0 =	sor.u32 s1, s0  }
0xca: {  	s0 =	sadd.s32 $0x8F2B, s0  }
0xcb: {  	[sflag:s0] =	ssyncadd.remote.s32 $0x1  }
0xcc: {  	_ =	sfence.sel $0xFFFF  }
0xcd: {  	[dreg:$0x0] =	wrdreg $0xFFFFFFFF;
	(pc) =	sbr.abs _section_cstart, $3  }
0xce: {  	[dreg:$0x1] =	wrdreg $0xFFFFFFFF  }
0xcf: {  	_ =	task.clear_ibuf [dreg:s22], $0x2FFFF;
	_ =	strace $0x9FFFFFFF  }
0xd0: {  	(tm) =	ssettm $0x7FFFFFFF  }
0xd1: {  	_ =	shalt  }
tec
execute0_lowered:
.L_overlay_start_1:
0x0: {  	(tag) =	ssettag $0x1  }
0x1: {  	s1 =	srdreg.scid;
	s0 =	stileid.u32  }
0x2: {  	s17 =	sand.u32 $0x1, s1;
	s26 =	sshll.u32 s0, $0x1  }
0x3: {  	s9 =	sor.u32 s17, s26  }
0x4: {  	s10 =	rddreg [dreg:$0x0];
	s18 =	smul.u32 $0x1388, s9  }
0x5: {  	s2 =	simm.s32 $0x0;
	s1 =	rddreg [dreg:$0x1]  }
0x6: {  	[smem:$0x7FF] =	sst s2;
	s16 =	sadd.s32 $0x120C00, s10;
	s3 =	sshrl.u32 s18, $0x3  }
0x7: {  	_ =	strace $0x8000004D;
	s4 =	sadd.s32 s16, s3;
	s3 =	simm.s32 $0x2  }
0x8: {  	[tilespmem:s2], [sflag:$0x2] =	stream.linear.gather [hbm4b:s4+s2], $0x3E8, $0x38;
	[tilespmem:$0x1F800] =	vst v63  }
0x9: {  	_ =	swait.ge [sflag:s3], $0x3E8  }
0xa: {  	s6 =	simm.s32 $0x3E8;
	s7 =	simm.s32 $0x400;
	[sflag:s3] =	ssyncset.done $0x0  }
0xb: {  	s8 =	simm.s32 $0x1;
	s5 =	sadd.s32 $0x411200, s10;
	[sflag:s3] =	ssyncadd.s32 $0xFFFFFC18  }
0xc: {  	[tilespmem:s7], [sflag:$0x1] =	stream.indirect.gather [hbm4b:s5+s6], $0x80, s2, s6, $0xb8;
	[tilespmem:$0x1F800] =	vst v63  }
0xd: {  	s9 =	smul.u32 $0x13880, s9;
	_ =	swait.ge [sflag:s8], $0x1F400  }
0xe: {  	s19 =	sadd.s32 $0x9B6800, s10;
	[sflag:s8] =	ssyncset.done $0x0  }
0xf: {  	s9 =	sadd.s32 s19, s9;
	[sflag:s8] =	ssyncadd.s32 $0xFFFE0C00  }
0x10: {  	[hbm4b:s9+s2] =	stream.linear.scatter [tilespmem:s7], [sflag:$0x2], $0x1F400, $0x38;
	[tilespmem:$0x1F800] =	vst v63  }
0x11: {  	s11 =	sadd.s32 $0x3E8, s18;
	_ =	swait.ge [sflag:s3], $0x1F400  }
0x12: {  	s28 =	sshrl.u32 s11, $0x3;
	[sflag:s3] =	ssyncset.done $0x0  }
0x13: {  	s10 =	sadd.s32 s16, s28;
	[sflag:s3] =	ssyncadd.s32 $0xFFFE0C00  }
0x14: {  	[tilespmem:s2], [sflag:$0x2] =	stream.linear.gather [hbm4b:s10+s2], $0x3E8, $0x38;
	[tilespmem:$0x1F800] =	vst v63  }
0x15: {  	_ =	swait.ge [sflag:s3], $0x3E8  }
0x16: {  	[sflag:s3] =	ssyncset.done $0x0  }
0x17: {  	[sflag:s3] =	ssyncadd.s32 $0xFFFFFC18  }
0x18: {  	[tilespmem:s7], [sflag:$0x1] =	stream.indirect.gather [hbm4b:s5+s6], $0x80, s2, s6, $0xb8;
	[tilespmem:$0x1F800] =	vst v63  }
0x19: {  	_ =	swait.ge [sflag:s8], $0x1F400  }
0x1a: {  	s11 =	sshll.u32 s11, $0x4;
	[sflag:s8] =	ssyncset.done $0x0  }
0x1b: {  	s11 =	sadd.s32 s19, s11;
	[sflag:s8] =	ssyncadd.s32 $0xFFFE0C00  }
0x1c: {  	[hbm4b:s11+s2] =	stream.linear.scatter [tilespmem:s7], [sflag:$0x2], $0x1F400, $0x38;
	[tilespmem:$0x1F800] =	vst v63  }
0x1d: {  	s13 =	sadd.s32 $0x7D0, s18;
	_ =	swait.ge [sflag:s3], $0x1F400  }
0x1e: {  	s12 =	sshrl.u32 s13, $0x3;
	[sflag:s3] =	ssyncset.done $0x0  }
0x1f: {  	s12 =	sadd.s32 s16, s12;
	[sflag:s3] =	ssyncadd.s32 $0xFFFE0C00  }
0x20: {  	[tilespmem:s2], [sflag:$0x2] =	stream.linear.gather [hbm4b:s12+s2], $0x3E8, $0x38;
	[tilespmem:$0x1F800] =	vst v63  }
0x21: {  	_ =	swait.ge [sflag:s3], $0x3E8  }
0x22: {  	[sflag:s3] =	ssyncset.done $0x0  }
0x23: {  	[sflag:s3] =	ssyncadd.s32 $0xFFFFFC18  }
0x24: {  	[tilespmem:s7], [sflag:$0x1] =	stream.indirect.gather [hbm4b:s5+s6], $0x80, s2, s6, $0xb8;
	[tilespmem:$0x1F800] =	vst v63  }
0x25: {  	_ =	swait.ge [sflag:s8], $0x1F400  }
0x26: {  	s13 =	sshll.u32 s13, $0x4;
	[sflag:s8] =	ssyncset.done $0x0  }
0x27: {  	s13 =	sadd.s32 s19, s13;
	[sflag:s8] =	ssyncadd.s32 $0xFFFE0C00  }
0x28: {  	[hbm4b:s13+s2] =	stream.linear.scatter [tilespmem:s7], [sflag:$0x2], $0x1F400, $0x38;
	[tilespmem:$0x1F800] =	vst v63  }
0x29: {  	s15 =	sadd.s32 $0xBB8, s18;
	_ =	swait.ge [sflag:s3], $0x1F400  }
0x2a: {  	s14 =	sshrl.u32 s15, $0x3;
	[sflag:s3] =	ssyncset.done $0x0  }
0x2b: {  	s14 =	sadd.s32 s16, s14;
	[sflag:s3] =	ssyncadd.s32 $0xFFFE0C00  }
0x2c: {  	[tilespmem:s2], [sflag:$0x2] =	stream.linear.gather [hbm4b:s14+s2], $0x3E8, $0x38;
	[tilespmem:$0x1F800] =	vst v63  }
0x2d: {  	_ =	swait.ge [sflag:s3], $0x3E8  }
0x2e: {  	[sflag:s3] =	ssyncset.done $0x0  }
0x2f: {  	[sflag:s3] =	ssyncadd.s32 $0xFFFFFC18  }
0x30: {  	[tilespmem:s7], [sflag:$0x1] =	stream.indirect.gather [hbm4b:s5+s6], $0x80, s2, s6, $0xb8;
	[tilespmem:$0x1F800] =	vst v63  }
0x31: {  	_ =	swait.ge [sflag:s8], $0x1F400  }
0x32: {  	s15 =	sshll.u32 s15, $0x4;
	[sflag:s8] =	ssyncset.done $0x0  }
0x33: {  	s15 =	sadd.s32 s19, s15;
	[sflag:s8] =	ssyncadd.s32 $0xFFFE0C00  }
0x34: {  	[hbm4b:s15+s2] =	stream.linear.scatter [tilespmem:s7], [sflag:$0x2], $0x1F400, $0x38;
	[tilespmem:$0x1F800] =	vst v63  }
0x35: {  	s18 =	sadd.s32 $0xFA0, s18;
	_ =	swait.ge [sflag:s3], $0x1F400  }
0x36: {  	s20 =	sshrl.u32 s18, $0x3;
	[sflag:s3] =	ssyncset.done $0x0  }
0x37: {  	s17 =	ssub.s32 $0x2, s17;
	s16 =	sadd.s32 s16, s20;
	[sflag:s3] =	ssyncadd.s32 $0xFFFE0C00  }
0x38: {  	[tilespmem:s2], [sflag:$0x2] =	stream.linear.gather [hbm4b:s16+s2], $0x3E8, $0x38;
	[tilespmem:$0x1F800] =	vst v63  }
0x39: {  	s29 =	sshrl.u32 s17, $0x1;
	_ =	swait.ge [sflag:s3], $0x3E8  }
0x3a: {  	s20 =	ssub.s32 s17, s29;
	[sflag:s3] =	ssyncset.done $0x0  }
0x3b: {  	s31 =	smax.u32 s20, $0x1;
	[sflag:s3] =	ssyncadd.s32 $0xFFFFFC18  }
0x3c: {  	[tilespmem:s7], [sflag:$0x1] =	stream.indirect.gather [hbm4b:s5+s6], $0x80, s2, s6, $0xb8;
	[tilespmem:$0x1F800] =	vst v63  }
0x3d: {  	p0 =	sne.s32 s31, $0x1;
	_ =	swait.ge [sflag:s8], $0x1F400  }
.Ltmp0:
0x3e: {  	s30 =	sshll.u32 s18, $0x4;
	[sflag:s8] =	ssyncset.done $0x0;
	(pc) =	sbr.rel @!p0 .LBB2_2-.Ltmp0, $4  }
0x3f: {  	s17 =	sadd.s32 s19, s30;
	[sflag:s8] =	ssyncadd.s32 $0xFFFE0C00  }
0x40: {  	[hbm4b:s17+s2] =	stream.linear.scatter [tilespmem:s7], [sflag:$0x2], $0x1F400, $0x38;
	[tilespmem:$0x1F800] =	vst v63  }
0x41: {  	_ =	swait.ge [sflag:s3], $0x1F400  }
0x42: {  	s18 =	sadd.s32 $0xFFFFFFFF, s31;
	[sflag:s3] =	ssyncset.done $0x0  }
.LBB2_1:
0x43: {  	p0 =	sne.s32 s18, $0x1;
	s18 =	sadd.s32 $0xFFFFFFFF, s18;
	[sflag:s3] =	ssyncadd.s32 $0xFFFE0C00  }
0x44: {  	[tilespmem:s2], [sflag:$0x2] =	stream.linear.gather [hbm4b:s4+s2], $0x3E8, $0x38;
	[tilespmem:$0x1F800] =	vst v63  }
0x45: {  	_ =	swait.ge [sflag:s3], $0x3E8  }
0x46: {  	[sflag:s3] =	ssyncset.done $0x0  }
0x47: {  	[sflag:s3] =	ssyncadd.s32 $0xFFFFFC18  }
0x48: {  	[tilespmem:s7], [sflag:$0x1] =	stream.indirect.gather [hbm4b:s5+s6], $0x80, s2, s6, $0xb8;
	[tilespmem:$0x1F800] =	vst v63  }
0x49: {  	_ =	swait.ge [sflag:s8], $0x1F400  }
0x4a: {  	[sflag:s8] =	ssyncset.done $0x0  }
0x4b: {  	[sflag:s8] =	ssyncadd.s32 $0xFFFE0C00  }
0x4c: {  	[hbm4b:s9+s2] =	stream.linear.scatter [tilespmem:s7], [sflag:$0x2], $0x1F400, $0x38;
	[tilespmem:$0x1F800] =	vst v63  }
0x4d: {  	_ =	swait.ge [sflag:s3], $0x1F400  }
0x4e: {  	[sflag:s3] =	ssyncset.done $0x0  }
0x4f: {  	[sflag:s3] =	ssyncadd.s32 $0xFFFE0C00  }
0x50: {  	[tilespmem:s2], [sflag:$0x2] =	stream.linear.gather [hbm4b:s10+s2], $0x3E8, $0x38;
	[tilespmem:$0x1F800] =	vst v63  }
0x51: {  	_ =	swait.ge [sflag:s3], $0x3E8  }
0x52: {  	[sflag:s3] =	ssyncset.done $0x0  }
0x53: {  	[sflag:s3] =	ssyncadd.s32 $0xFFFFFC18  }
0x54: {  	[tilespmem:s7], [sflag:$0x1] =	stream.indirect.gather [hbm4b:s5+s6], $0x80, s2, s6, $0xb8;
	[tilespmem:$0x1F800] =	vst v63  }
0x55: {  	_ =	swait.ge [sflag:s8], $0x1F400  }
0x56: {  	[sflag:s8] =	ssyncset.done $0x0  }
0x57: {  	[sflag:s8] =	ssyncadd.s32 $0xFFFE0C00  }
0x58: {  	[hbm4b:s11+s2] =	stream.linear.scatter [tilespmem:s7], [sflag:$0x2], $0x1F400, $0x38;
	[tilespmem:$0x1F800] =	vst v63  }
0x59: {  	_ =	swait.ge [sflag:s3], $0x1F400  }
0x5a: {  	[sflag:s3] =	ssyncset.done $0x0  }
0x5b: {  	[sflag:s3] =	ssyncadd.s32 $0xFFFE0C00  }
0x5c: {  	[tilespmem:s2], [sflag:$0x2] =	stream.linear.gather [hbm4b:s12+s2], $0x3E8, $0x38;
	[tilespmem:$0x1F800] =	vst v63  }
0x5d: {  	_ =	swait.ge [sflag:s3], $0x3E8  }
0x5e: {  	[sflag:s3] =	ssyncset.done $0x0  }
0x5f: {  	[sflag:s3] =	ssyncadd.s32 $0xFFFFFC18  }
0x60: {  	[tilespmem:s7], [sflag:$0x1] =	stream.indirect.gather [hbm4b:s5+s6], $0x80, s2, s6, $0xb8;
	[tilespmem:$0x1F800] =	vst v63  }
0x61: {  	_ =	swait.ge [sflag:s8], $0x1F400  }
0x62: {  	[sflag:s8] =	ssyncset.done $0x0  }
0x63: {  	[sflag:s8] =	ssyncadd.s32 $0xFFFE0C00  }
0x64: {  	[hbm4b:s13+s2] =	stream.linear.scatter [tilespmem:s7], [sflag:$0x2], $0x1F400, $0x38;
	[tilespmem:$0x1F800] =	vst v63  }
0x65: {  	_ =	swait.ge [sflag:s3], $0x1F400  }
0x66: {  	[sflag:s3] =	ssyncset.done $0x0  }
0x67: {  	[sflag:s3] =	ssyncadd.s32 $0xFFFE0C00  }
0x68: {  	[tilespmem:s2], [sflag:$0x2] =	stream.linear.gather [hbm4b:s14+s2], $0x3E8, $0x38;
	[tilespmem:$0x1F800] =	vst v63  }
0x69: {  	_ =	swait.ge [sflag:s3], $0x3E8  }
0x6a: {  	[sflag:s3] =	ssyncset.done $0x0  }
0x6b: {  	[sflag:s3] =	ssyncadd.s32 $0xFFFFFC18  }
0x6c: {  	[tilespmem:s7], [sflag:$0x1] =	stream.indirect.gather [hbm4b:s5+s6], $0x80, s2, s6, $0xb8;
	[tilespmem:$0x1F800] =	vst v63  }
0x6d: {  	_ =	swait.ge [sflag:s8], $0x1F400  }
0x6e: {  	[sflag:s8] =	ssyncset.done $0x0  }
0x6f: {  	[sflag:s8] =	ssyncadd.s32 $0xFFFE0C00  }
0x70: {  	[hbm4b:s15+s2] =	stream.linear.scatter [tilespmem:s7], [sflag:$0x2], $0x1F400, $0x38;
	[tilespmem:$0x1F800] =	vst v63  }
0x71: {  	_ =	swait.ge [sflag:s3], $0x1F400  }
0x72: {  	[sflag:s3] =	ssyncset.done $0x0  }
0x73: {  	[sflag:s3] =	ssyncadd.s32 $0xFFFE0C00  }
0x74: {  	[tilespmem:s2], [sflag:$0x2] =	stream.linear.gather [hbm4b:s16+s2], $0x3E8, $0x38;
	[tilespmem:$0x1F800] =	vst v63  }
0x75: {  	_ =	swait.ge [sflag:s3], $0x3E8  }
0x76: {  	[sflag:s3] =	ssyncset.done $0x0  }
0x77: {  	[sflag:s3] =	ssyncadd.s32 $0xFFFFFC18  }
0x78: {  	[tilespmem:s7], [sflag:$0x1] =	stream.indirect.gather [hbm4b:s5+s6], $0x80, s2, s6, $0xb8;
	[tilespmem:$0x1F800] =	vst v63  }
0x79: {  	_ =	swait.ge [sflag:s8], $0x1F400  }
.Ltmp1:
0x7a: {  	[sflag:s8] =	ssyncset.done $0x0;
	(pc) =	sbr.rel @p0 .LBB2_1-.Ltmp1, $4  }
0x7b: {  	[sflag:s8] =	ssyncadd.s32 $0xFFFE0C00  }
0x7c: {  	[hbm4b:s17+s2] =	stream.linear.scatter [tilespmem:s7], [sflag:$0x2], $0x1F400, $0x38;
	[tilespmem:$0x1F800] =	vst v63  }
0x7d: {  	_ =	swait.ge [sflag:s3], $0x1F400  }
0x7e: {  	[sflag:s3] =	ssyncset.done $0x0  }
.LBB2_2:
0x7f: {  	[sflag:s3] =	ssyncadd.s32 $0xFFFE0C00  }
0x80: {  	_ =	sfence.sel $0x180000  }
0x81: {  	[bflag:$0x0] =	sbarrier.arrive $0xFFFF  }
0x82: {  	p0 =	sne.s32 s0, $0x0;
	_ =	strace $0x9000004D  }
0x83: {  	s0 =	sadd.s32 @!p0 $0x100000, s1;
	[bflag:$0x2] =	sbarrier.arrive $0xFFFF  }
0x84: {  	[sflag:s0] =	ssyncadd.tile.s32 @!p0 $0x1;
	_ =	shalt  }
.Lfunc_end2:
_tile_overlayer_lowered:
.L_overlay_start_2:
0x85: {  	(tag) =	ssettag $0x2  }
0x86: {  	s0 =	rddreg [dreg:$0x0];
	s2 =	stileid.u32  }
0x87: {  	s1 =	rddreg [dreg:$0x1];
	p0 =	sne.s32 s2, $0x0  }
0x88: {  	s3 =	rddreg [dreg:$0x2];
	[bflag:$0x3] =	sbarrier.arrive $0xFFFF;
	s2 =	simm.s32 @!p0 $0x1C02  }
0x89: {  	[timem:s3], [sflag:s2] =	dma.local @!p0 [hbm:s0], s1  }
0x8a: {  	s0 =	simm.s32 @!p0 $0x2  }
0x8b: {  	_ =	swait.ge @!p0 [sflag:s0], s1  }
0x8c: {  	s1 =	ssub.s32 @!p0 $0x0, s1;
	[sflag:s0] =	ssyncset.done @!p0 $0x0  }
0x8d: {  	[sflag:s0] =	ssyncadd.s32 @!p0 s1  }
0x8e: {  	[bflag:$0x3] =	sbarrier.arrive $0xFFFF  }
0x8f: {  	_ =	shalt  }

// kernel: kernel.22.cloned.1.call-start
scs
__scs_entry_jumppad:
0x0: {  	(pc) =	sbr.rel $0x88, $3  }
0x1: {  	(tag) =	ssettag $0x0;
	lr =	simm.s32 $0x1  }
0x2: {  	[smem:$0x3F86] =	sst lr;
	_ =	strace $0xD0000000  }
0x3: {  	_ = 	snop  }
0x4: {  	_ = 	snop  }
0x5: {  	_ = 	snop  }
0x6: {  	_ = 	snop  }
0x7: {  	_ = 	snop  }
__scs_overlays_trampoline_lowered:
0x8: {  	[smem:$0x3F95] =	sst s0  }
0x9: {  	[smem:$0x3F96] =	sst s1  }
0xa: {  	[smem:$0x3F97] =	sst s2  }
0xb: {  	[smem:$0x3F98] =	sst s3  }
0xc: {  	[smem:$0x3F99] =	sst s4  }
0xd: {  	[smem:$0x3F9A] =	sst s5  }
0xe: {  	[smem:$0x3F9B] =	sst s6  }
0xf: {  	[smem:$0x3F9C] =	sst s7  }
0x10: {  	[smem:$0x3F9D] =	sst s8  }
0x11: {  	[smem:$0x3F9E] =	sst s9;
	s0 =	simm.s32 @!p0 $0x0  }
0x12: {  	s1 =	sld [smem:$0x3F84];
	s0 =	simm.s32 @p0 $0x1  }
0x13: {  	[smem:$0x3F9F] =	sst s0;
	s0 =	simm.s32 @!p1 $0x0  }
0x14: {  	s2 =	sld [smem:$0x3F83];
	s0 =	simm.s32 @p1 $0x1  }
0x15: {  	[smem:$0x3FA0] =	sst s0;
	s0 =	simm.s32 @!p2 $0x0  }
0x16: {  	s3 =	sld [smem:$0x3FDB];
	s0 =	simm.s32 @p2 $0x1  }
0x17: {  	s4 =	simm.s32 $0x1BF5;
	[smem:$0x3FA2] =	sst s0  }
0x18: {  	s0 =	sld [smem:$0x3F85];
	_ =	swait.ge [sflag:s4], $0x0  }
0x19: {  	s7 =	sld [smem:$0x3F86]  }
0x1a: {  	s8 =	sadd.s32 $0xFFFFE003, lr  }
0x1b: {  	s9 =	sadd.s32 $0xFFFFFEF7, lr;
	s5 =	simm.s32 $0xFFFFFFFF;
	p2 =	slt.u32 s8, $0xFFFFF086  }
0x1c: {  	p1 =	slt.u32 s9, $0xF7A;
	s5 =	simm.s32 @!p2 $0x0  }
0x1d: {  	s5 =	simm.s32 @p1 $0x1;
	p0 =	seq.s32 s7, s2  }
0x1e: {  	s7 =	smul.u32 @!p0 $0xF7A, s2;
	p2 =	seq.s32 @!p0 s5, $0x0  }
0x1f: {  	s9 =	smul.u32 $0xF7A, s1;
	s8 =	simm.s32 @!p0 $0x1BF5;
	p2 =	por !p2, p0  }
0x20: {  	[sflag:s8] =	ssyncset.s32 @!p0 $0xFFFFF086;
	s6 =	sadd.s32 @!p0 s3, s7;
	s7 =	simm.s32 @!p0 $0x108  }
0x21: {  	s3 =	sadd.s32 s3, s9;
	s6 =	sadd.s32 @!p0 $0x88, s6;
	s7 =	simm.s32 @p2 $0x1082  }
0x22: {  	[simem:s7], [sflag:s8] =	dma.local @!p0 [hbm:s6], $0xF7A  }
0x23: {  	s9 =	sor.u32 $0xD0000000, s2;
	s6 =	simm.s32 $0x108;
	_ =	swait.ge @!p0 [sflag:s8], $0x0  }
0x24: {  	s3 =	sadd.s32 $0x88, s3;
	s6 =	simm.s32 @!p1 $0x1082;
	[sflag:s4] =	ssyncset.s32 $0xFFFFF086  }
0x25: {  	[simem:s6], [sflag:s4] =	dma.local [hbm:s3], $0xF7A  }
0x26: {  	[smem:$0x3F86] =	sst s1;
	(tag) =	ssettag s2;
	_ =	strace s9  }
0x27: {  	s1 =	sld [smem:$0x3F96]  }
0x28: {  	s2 =	sld [smem:$0x3F97]  }
0x29: {  	s4 =	sld [smem:$0x3F99]  }
0x2a: {  	p0 =	seq.s32 s5, $0x0;
	s5 =	sld [smem:$0x3F9A]  }
0x2b: {  	s6 =	sld [smem:$0x3F9B]  }
0x2c: {  	s7 =	sld [smem:$0x3F9C]  }
0x2d: {  	s3 =	simm.s32 $0x108;
	s8 =	sld [smem:$0x3F9D]  }
0x2e: {  	s3 =	simm.s32 @!p0 $0x1082;
	s9 =	sld [smem:$0x3F9E]  }
0x2f: {  	lr =	sadd.s32 s0, s3;
	s0 =	sld [smem:$0x3F95]  }
0x30: {  	s3 =	sld [smem:$0x3F98]  }
0x31: {  	[smem:$0x3FA1] =	sst s10  }
0x32: {  	s10 =	sld [smem:$0x3F9F];
	_ =	sdelay $0x3  }
0x33: {  	p0 =	seq.s32 s10, $0x1;
	s10 =	sld [smem:$0x3FA1];
	_ =	sdelay $0x3  }
0x34: {  	[smem:$0x3FA1] =	sst s10  }
0x35: {  	s10 =	sld [smem:$0x3FA0];
	_ =	sdelay $0x3  }
0x36: {  	p1 =	seq.s32 s10, $0x1;
	s10 =	sld [smem:$0x3FA1];
	_ =	sdelay $0x3  }
0x37: {  	[smem:$0x3FA1] =	sst s10  }
0x38: {  	s10 =	sld [smem:$0x3FA2]  }
0x39: {  	_ = 	snop;
	(pc) =	sbr.ind lr, $3  }
0x3a: {  	_ = 	snop  }
0x3b: {  	_ = 	snop  }
0x3c: {  	p2 =	seq.s32 s10, $0x1;
	s10 =	sld [smem:$0x3FA1]  }
0x3d: {  	_ =	shalt  }
0x3e: {  	_ =	shalt  }
0x3f: {  	_ =	shalt  }
0x40: {  	_ =	shalt  }
0x41: {  	_ =	shalt  }
0x42: {  	_ =	shalt  }
0x43: {  	_ =	shalt  }
0x44: {  	_ =	shalt  }
0x45: {  	_ =	shalt  }
0x46: {  	_ =	shalt  }
0x47: {  	_ =	shalt  }
0x48: {  	_ =	shalt  }
0x49: {  	_ =	shalt  }
0x4a: {  	_ =	shalt  }
0x4b: {  	_ =	shalt  }
0x4c: {  	_ =	shalt  }
0x4d: {  	_ =	shalt  }
0x4e: {  	_ =	shalt  }
0x4f: {  	_ =	shalt  }
0x50: {  	_ =	shalt  }
0x51: {  	_ =	shalt  }
0x52: {  	_ =	shalt  }
0x53: {  	_ =	shalt  }
0x54: {  	_ =	shalt  }
0x55: {  	_ =	shalt  }
0x56: {  	_ =	shalt  }
0x57: {  	_ =	shalt  }
0x58: {  	_ =	shalt  }
0x59: {  	_ =	shalt  }
0x5a: {  	_ =	shalt  }
0x5b: {  	_ =	shalt  }
0x5c: {  	_ =	shalt  }
0x5d: {  	_ =	shalt  }
0x5e: {  	_ =	shalt  }
0x5f: {  	_ =	shalt  }
0x60: {  	_ =	shalt  }
0x61: {  	_ =	shalt  }
0x62: {  	_ =	shalt  }
0x63: {  	_ =	shalt  }
0x64: {  	_ =	shalt  }
0x65: {  	_ =	shalt  }
0x66: {  	_ =	shalt  }
0x67: {  	_ =	shalt  }
0x68: {  	_ =	shalt  }
0x69: {  	_ =	shalt  }
0x6a: {  	_ =	shalt  }
0x6b: {  	_ =	shalt  }
0x6c: {  	_ =	shalt  }
0x6d: {  	_ =	shalt  }
0x6e: {  	_ =	shalt  }
0x6f: {  	_ =	shalt  }
0x70: {  	_ =	shalt  }
0x71: {  	_ =	shalt  }
0x72: {  	_ =	shalt  }
0x73: {  	_ =	shalt  }
0x74: {  	_ =	shalt  }
0x75: {  	_ =	shalt  }
0x76: {  	_ =	shalt  }
0x77: {  	_ =	shalt  }
0x78: {  	_ =	shalt  }
0x79: {  	_ =	shalt  }
0x7a: {  	_ =	shalt  }
0x7b: {  	_ =	shalt  }
0x7c: {  	_ =	shalt  }
0x7d: {  	_ =	shalt  }
0x7e: {  	_ =	shalt  }
0x7f: {  	_ =	shalt  }
0x80: {  	_ =	shalt  }
0x81: {  	_ =	shalt  }
0x82: {  	_ =	shalt  }
0x83: {  	_ =	shalt  }
0x84: {  	_ =	shalt  }
0x85: {  	_ =	shalt  }
0x86: {  	_ =	shalt  }
0x87: {  	_ =	shalt  }
.Lfunc_end0:
.L_simem_size_0:
called_computation.3_lowered:
.L_overlay_start_0:
0x88: {  	s2 =	sld [smem:$0x3FD9]  }
0x89: {  	s3 =	sld [smem:$0x3FFE];
	_ =	sdelay $0x1  }
0x8a: {  	s1 =	srdreg.scid  }
0x8b: {  	s0 =	sand.u32 $0x1, s1  }
0x8c: {  	s17 =	sshll.u32 s0, $0xA;
	s2 =	sadd.s32 s3, s2  }
0x8d: {  	s2 =	sadd.s32 s2, s17  }
0x8e: {  	[smem:$0x3FAD] =	sst s2  }
0x8f: {  	_ = 	snop  }
0x90: {  	(tm) =	ssettm $0x1  }
0x91: {  	s18 =	sld [smem:$0x3FFB];
	_ =	sdelay $0x3  }
0x92: {  	_ =	strace s18  }
0x93: {  	s2 =	sld [smem:$0x3FFC];
	_ =	sdelay $0x3  }
0x94: {  	_ =	strace s2  }
0x95: {  	s2 =	sld [smem:$0x3FFD];
	_ =	sdelay $0x3  }
0x96: {  	_ =	strace s2  }
0x97: {  	_ =	strace $0x8FFFFFFF  }
0x98: {  	s19 =	sld [smem:$0x3FDB];
	_ =	sdelay $0x1  }
0x99: {  	s20 =	simm.s32 $_scs_section_size  }
0x9a: {  	s4 =	simm.s32 $_size__tile_overlayer_lowered;
	s5 =	simm.s32 $_tile_overlayer_lowered  }
0x9b: {  	s6 =	simm.s32 $0x1BFF;
	s21 =	sshll.u32 s5, $0x1;
	s3 =	sadd.s32 s20, s19  }
0x9c: {  	s22 =	simm.s32 $0x0;
	s4 =	sshll.u32 s4, $0x1;
	s5 =	sadd.s32 s21, s3  }
0x9d: {  	[timem:s22], [sflag:s6] =	dma.local [hbm:s5], s4  }
0x9e: {  	_ =	swait.ge [sflag:s6], s4  }
0x9f: {  	s4 =	ssub.s32 $0x0, s4;
	[sflag:s6] =	ssyncset.done $0x0  }
0xa0: {  	[sflag:s6] =	ssyncadd.s32 s4;
	_ =	sdelay $0x1  }
0xa1: {  	s23 =	simm.s32 $0x1B8B  }
0xa2: {  	_ =	swait.ge [sflag:s23], $0x1  }
0xa3: {  	[sflag:s23] =	ssyncset.done $0x0  }
0xa4: {  	[sflag:s23] =	ssyncadd.s32 $0xFFFFFFFF  }
0xa5: {  	s4 =	sld [smem:$0x0]  }
0xa6: {  	s5 =	sand.u32 $0xFFFFFFFE, s1  }
0xa7: {  	p0 =	sne.s32 s1, s5  }
0xa8: {  	s5 =	sshll.u32 @p0 s5, $0xE  }
0xa9: {  	s5 =	sadd.s32 @p0 $0x11B8D, s5;
	s6 =	sshll.u32 @p0 s4, $0x11  }
0xaa: {  	s5 =	sor.u32 @p0 s6, s5  }
0xab: {  	[sflag:s5] =	ssyncadd.remote.s32 @p0 $0x1;
	_ =	sdelay $0x1  }
0xac: {  	s5 =	simm.s32 @p0 $0x1B8D  }
0xad: {  	_ =	swait.eq @p0 [sflag:s5], $0x1  }
0xae: {  	[sflag:s5] =	ssyncadd.s32 @p0 $0xFFFFFFFF  }
0xaf: {  	s6 =	sshll.u32 @!p0 s1, $0xE  }
0xb0: {  	s6 =	sor.u32 @!p0 $0x4000, s6;
	s5 =	simm.s32 @!p0 $0x1B8D  }
0xb1: {  	s4 =	sshll.u32 @!p0 s4, $0x11;
	s6 =	sadd.s32 @!p0 $0x11B8D, s6;
	_ =	swait.eq @!p0 [sflag:s5], $0x1  }
0xb2: {  	s4 =	sor.u32 @!p0 s4, s6;
	[sflag:s5] =	ssyncadd.s32 @!p0 $0xFFFFFFFF  }
0xb3: {  	s25 =	simm.s32 $0x1B8E;
	s24 =	sld [smem:$0x3FFE];
	[sflag:s4] =	ssyncadd.remote.s32 @!p0 $0x1  }
0xb4: {  	s26 =	simm.s32 $execute0_lowered;
	[smem:$0x3FD2] =	sst s25  }
0xb5: {  	s5 =	sshll.u32 s26, $0x1;
	_ =	strace $0x8000004F;
	[dreg:$0x1] =	wrdreg $0xFFFFFFFF  }
0xb6: {  	s28 =	simm.s32 $_size_execute0_lowered;
	s3 =	sadd.s32 s3, s5;
	[dreg:$0x0] =	wrdreg $0x0  }
0xb7: {  	s5 =	sshll.u32 s28, $0x1;
	[dreg:$0x2] =	wrdreg s3  }
0xb8: {  	[dreg:$0x3] =	wrdreg s5  }
0xb9: {  	[dreg:$0x4] =	wrdreg $0xC0  }
0xba: {  	_ =	task [dreg:s22], $0x5FFFF  }
0xbb: {  	[dreg:$0x1] =	wrdreg $0xFFFFFFFF  }
0xbc: {  	[dreg:$0x0] =	wrdreg $0x60  }
0xbd: {  	[dreg:$0x2] =	wrdreg s24  }
0xbe: {  	[dreg:$0x3] =	wrdreg $0xC  }
0xbf: {  	_ =	task.clear_ibuf [dreg:s22], $0x4FFFF;
	_ =	strace $0x9000004F  }
0xc0: {  	s29 =	simm.s32 $0xC;
	_ =	strace $0x80000051  }
0xc1: {  	_ =	swait.ge [sflag:s29], $0x1  }
0xc2: {  	[sflag:s29] =	ssyncadd.s32 $0xFFFFFFFF  }
0xc3: {  	_ =	strace $0x90000051  }
0xc4: {  	_ =	sfence  }
0xc5: {  	s30 =	sld [smem:$0x0];
	_ =	sdelay $0x2  }
0xc6: {  	s31 =	sshll.u32 s1, $0xD;
	s1 =	sshrl.u32 s1, $0x2  }
0xc7: {  	s4 =	sand.u32 $0x4000, s31;
	s1 =	sadd.s32 s1, s30  }
0xc8: {  	s0 =	sor.u32 s4, s0;
	s1 =	sshll.u32 s1, $0x11  }
0xc9: {  	s0 =	sor.u32 s1, s0  }
0xca: {  	s0 =	sadd.s32 $0x8F2B, s0  }
0xcb: {  	[sflag:s0] =	ssyncadd.remote.s32 $0x1  }
0xcc: {  	_ =	sfence.sel $0xFFFF  }
0xcd: {  	[dreg:$0x0] =	wrdreg $0xFFFFFFFF;
	(pc) =	sbr.abs _section_cstart, $3  }
0xce: {  	[dreg:$0x1] =	wrdreg $0xFFFFFFFF  }
0xcf: {  	_ =	task.clear_ibuf [dreg:s22], $0x2FFFF;
	_ =	strace $0x9FFFFFFF  }
0xd0: {  	(tm) =	ssettm $0x7FFFFFFF  }
0xd1: {  	_ =	shalt  }
tec
execute0_lowered:
.L_overlay_start_1:
0x0: {  	(tag) =	ssettag $0x1  }
0x1: {  	s1 =	srdreg.scid;
	s0 =	stileid.u32  }
0x2: {  	s17 =	sand.u32 $0x1, s1;
	s26 =	sshll.u32 s0, $0x1  }
0x3: {  	s9 =	sor.u32 s17, s26  }
0x4: {  	s10 =	rddreg [dreg:$0x0];
	s18 =	smul.u32 $0x1388, s9  }
0x5: {  	s2 =	simm.s32 $0x0;
	s1 =	rddreg [dreg:$0x1]  }
0x6: {  	[smem:$0x7FF] =	sst s2;
	s16 =	sadd.s32 $0x14CE00, s10;
	s3 =	sshrl.u32 s18, $0x3  }
0x7: {  	_ =	strace $0x80000050;
	s4 =	sadd.s32 s16, s3;
	s3 =	simm.s32 $0x2  }
0x8: {  	[tilespmem:s2], [sflag:$0x2] =	stream.linear.gather [hbm4b:s4+s2], $0x3E8, $0x38;
	[tilespmem:$0x1F800] =	vst v63  }
0x9: {  	_ =	swait.ge [sflag:s3], $0x3E8  }
0xa: {  	s6 =	simm.s32 $0x3E8;
	s7 =	simm.s32 $0x400;
	[sflag:s3] =	ssyncset.done $0x0  }
0xb: {  	s8 =	simm.s32 $0x1;
	s5 =	sadd.s32 $0x411200, s10;
	[sflag:s3] =	ssyncadd.s32 $0xFFFFFC18  }
0xc: {  	[tilespmem:s7], [sflag:$0x1] =	stream.indirect.gather [hbm4b:s5+s6], $0x80, s2, s6, $0xb8;
	[tilespmem:$0x1F800] =	vst v63  }
0xd: {  	s9 =	smul.u32 $0x13880, s9;
	_ =	swait.ge [sflag:s8], $0x1F400  }
0xe: {  	s19 =	sadd.s32 $0xC27800, s10;
	[sflag:s8] =	ssyncset.done $0x0  }
0xf: {  	s9 =	sadd.s32 s19, s9;
	[sflag:s8] =	ssyncadd.s32 $0xFFFE0C00  }
0x10: {  	[hbm4b:s9+s2] =	stream.linear.scatter [tilespmem:s7], [sflag:$0x2], $0x1F400, $0x38;
	[tilespmem:$0x1F800] =	vst v63  }
0x11: {  	s11 =	sadd.s32 $0x3E8, s18;
	_ =	swait.ge [sflag:s3], $0x1F400  }
0x12: {  	s28 =	sshrl.u32 s11, $0x3;
	[sflag:s3] =	ssyncset.done $0x0  }
0x13: {  	s10 =	sadd.s32 s16, s28;
	[sflag:s3] =	ssyncadd.s32 $0xFFFE0C00  }
0x14: {  	[tilespmem:s2], [sflag:$0x2] =	stream.linear.gather [hbm4b:s10+s2], $0x3E8, $0x38;
	[tilespmem:$0x1F800] =	vst v63  }
0x15: {  	_ =	swait.ge [sflag:s3], $0x3E8  }
0x16: {  	[sflag:s3] =	ssyncset.done $0x0  }
0x17: {  	[sflag:s3] =	ssyncadd.s32 $0xFFFFFC18  }
0x18: {  	[tilespmem:s7], [sflag:$0x1] =	stream.indirect.gather [hbm4b:s5+s6], $0x80, s2, s6, $0xb8;
	[tilespmem:$0x1F800] =	vst v63  }
0x19: {  	_ =	swait.ge [sflag:s8], $0x1F400  }
0x1a: {  	s11 =	sshll.u32 s11, $0x4;
	[sflag:s8] =	ssyncset.done $0x0  }
0x1b: {  	s11 =	sadd.s32 s19, s11;
	[sflag:s8] =	ssyncadd.s32 $0xFFFE0C00  }
0x1c: {  	[hbm4b:s11+s2] =	stream.linear.scatter [tilespmem:s7], [sflag:$0x2], $0x1F400, $0x38;
	[tilespmem:$0x1F800] =	vst v63  }
0x1d: {  	s13 =	sadd.s32 $0x7D0, s18;
	_ =	swait.ge [sflag:s3], $0x1F400  }
0x1e: {  	s12 =	sshrl.u32 s13, $0x3;
	[sflag:s3] =	ssyncset.done $0x0  }
0x1f: {  	s12 =	sadd.s32 s16, s12;
	[sflag:s3] =	ssyncadd.s32 $0xFFFE0C00  }
0x20: {  	[tilespmem:s2], [sflag:$0x2] =	stream.linear.gather [hbm4b:s12+s2], $0x3E8, $0x38;
	[tilespmem:$0x1F800] =	vst v63  }
0x21: {  	_ =	swait.ge [sflag:s3], $0x3E8  }
0x22: {  	[sflag:s3] =	ssyncset.done $0x0  }
0x23: {  	[sflag:s3] =	ssyncadd.s32 $0xFFFFFC18  }
0x24: {  	[tilespmem:s7], [sflag:$0x1] =	stream.indirect.gather [hbm4b:s5+s6], $0x80, s2, s6, $0xb8;
	[tilespmem:$0x1F800] =	vst v63  }
0x25: {  	_ =	swait.ge [sflag:s8], $0x1F400  }
0x26: {  	s13 =	sshll.u32 s13, $0x4;
	[sflag:s8] =	ssyncset.done $0x0  }
0x27: {  	s13 =	sadd.s32 s19, s13;
	[sflag:s8] =	ssyncadd.s32 $0xFFFE0C00  }
0x28: {  	[hbm4b:s13+s2] =	stream.linear.scatter [tilespmem:s7], [sflag:$0x2], $0x1F400, $0x38;
	[tilespmem:$0x1F800] =	vst v63  }
0x29: {  	s15 =	sadd.s32 $0xBB8, s18;
	_ =	swait.ge [sflag:s3], $0x1F400  }
0x2a: {  	s14 =	sshrl.u32 s15, $0x3;
	[sflag:s3] =	ssyncset.done $0x0  }
0x2b: {  	s14 =	sadd.s32 s16, s14;
	[sflag:s3] =	ssyncadd.s32 $0xFFFE0C00  }
0x2c: {  	[tilespmem:s2], [sflag:$0x2] =	stream.linear.gather [hbm4b:s14+s2], $0x3E8, $0x38;
	[tilespmem:$0x1F800] =	vst v63  }
0x2d: {  	_ =	swait.ge [sflag:s3], $0x3E8  }
0x2e: {  	[sflag:s3] =	ssyncset.done $0x0  }
0x2f: {  	[sflag:s3] =	ssyncadd.s32 $0xFFFFFC18  }
0x30: {  	[tilespmem:s7], [sflag:$0x1] =	stream.indirect.gather [hbm4b:s5+s6], $0x80, s2, s6, $0xb8;
	[tilespmem:$0x1F800] =	vst v63  }
0x31: {  	_ =	swait.ge [sflag:s8], $0x1F400  }
0x32: {  	s15 =	sshll.u32 s15, $0x4;
	[sflag:s8] =	ssyncset.done $0x0  }
0x33: {  	s15 =	sadd.s32 s19, s15;
	[sflag:s8] =	ssyncadd.s32 $0xFFFE0C00  }
0x34: {  	[hbm4b:s15+s2] =	stream.linear.scatter [tilespmem:s7], [sflag:$0x2], $0x1F400, $0x38;
	[tilespmem:$0x1F800] =	vst v63  }
0x35: {  	s18 =	sadd.s32 $0xFA0, s18;
	_ =	swait.ge [sflag:s3], $0x1F400  }
0x36: {  	s20 =	sshrl.u32 s18, $0x3;
	[sflag:s3] =	ssyncset.done $0x0  }
0x37: {  	s17 =	ssub.s32 $0x2, s17;
	s16 =	sadd.s32 s16, s20;
	[sflag:s3] =	ssyncadd.s32 $0xFFFE0C00  }
0x38: {  	[tilespmem:s2], [sflag:$0x2] =	stream.linear.gather [hbm4b:s16+s2], $0x3E8, $0x38;
	[tilespmem:$0x1F800] =	vst v63  }
0x39: {  	s29 =	sshrl.u32 s17, $0x1;
	_ =	swait.ge [sflag:s3], $0x3E8  }
0x3a: {  	s20 =	ssub.s32 s17, s29;
	[sflag:s3] =	ssyncset.done $0x0  }
0x3b: {  	s31 =	smax.u32 s20, $0x1;
	[sflag:s3] =	ssyncadd.s32 $0xFFFFFC18  }
0x3c: {  	[tilespmem:s7], [sflag:$0x1] =	stream.indirect.gather [hbm4b:s5+s6], $0x80, s2, s6, $0xb8;
	[tilespmem:$0x1F800] =	vst v63  }
0x3d: {  	p0 =	sne.s32 s31, $0x1;
	_ =	swait.ge [sflag:s8], $0x1F400  }
.Ltmp0:
0x3e: {  	s30 =	sshll.u32 s18, $0x4;
	[sflag:s8] =	ssyncset.done $0x0;
	(pc) =	sbr.rel @!p0 .LBB2_2-.Ltmp0, $4  }
0x3f: {  	s17 =	sadd.s32 s19, s30;
	[sflag:s8] =	ssyncadd.s32 $0xFFFE0C00  }
0x40: {  	[hbm4b:s17+s2] =	stream.linear.scatter [tilespmem:s7], [sflag:$0x2], $0x1F400, $0x38;
	[tilespmem:$0x1F800] =	vst v63  }
0x41: {  	_ =	swait.ge [sflag:s3], $0x1F400  }
0x42: {  	s18 =	sadd.s32 $0xFFFFFFFF, s31;
	[sflag:s3] =	ssyncset.done $0x0  }
.LBB2_1:
0x43: {  	p0 =	sne.s32 s18, $0x1;
	s18 =	sadd.s32 $0xFFFFFFFF, s18;
	[sflag:s3] =	ssyncadd.s32 $0xFFFE0C00  }
0x44: {  	[tilespmem:s2], [sflag:$0x2] =	stream.linear.gather [hbm4b:s4+s2], $0x3E8, $0x38;
	[tilespmem:$0x1F800] =	vst v63  }
0x45: {  	_ =	swait.ge [sflag:s3], $0x3E8  }
0x46: {  	[sflag:s3] =	ssyncset.done $0x0  }
0x47: {  	[sflag:s3] =	ssyncadd.s32 $0xFFFFFC18  }
0x48: {  	[tilespmem:s7], [sflag:$0x1] =	stream.indirect.gather [hbm4b:s5+s6], $0x80, s2, s6, $0xb8;
	[tilespmem:$0x1F800] =	vst v63  }
0x49: {  	_ =	swait.ge [sflag:s8], $0x1F400  }
0x4a: {  	[sflag:s8] =	ssyncset.done $0x0  }
0x4b: {  	[sflag:s8] =	ssyncadd.s32 $0xFFFE0C00  }
0x4c: {  	[hbm4b:s9+s2] =	stream.linear.scatter [tilespmem:s7], [sflag:$0x2], $0x1F400, $0x38;
	[tilespmem:$0x1F800] =	vst v63  }
0x4d: {  	_ =	swait.ge [sflag:s3], $0x1F400  }
0x4e: {  	[sflag:s3] =	ssyncset.done $0x0  }
0x4f: {  	[sflag:s3] =	ssyncadd.s32 $0xFFFE0C00  }
0x50: {  	[tilespmem:s2], [sflag:$0x2] =	stream.linear.gather [hbm4b:s10+s2], $0x3E8, $0x38;
	[tilespmem:$0x1F800] =	vst v63  }
0x51: {  	_ =	swait.ge [sflag:s3], $0x3E8  }
0x52: {  	[sflag:s3] =	ssyncset.done $0x0  }
0x53: {  	[sflag:s3] =	ssyncadd.s32 $0xFFFFFC18  }
0x54: {  	[tilespmem:s7], [sflag:$0x1] =	stream.indirect.gather [hbm4b:s5+s6], $0x80, s2, s6, $0xb8;
	[tilespmem:$0x1F800] =	vst v63  }
0x55: {  	_ =	swait.ge [sflag:s8], $0x1F400  }
0x56: {  	[sflag:s8] =	ssyncset.done $0x0  }
0x57: {  	[sflag:s8] =	ssyncadd.s32 $0xFFFE0C00  }
0x58: {  	[hbm4b:s11+s2] =	stream.linear.scatter [tilespmem:s7], [sflag:$0x2], $0x1F400, $0x38;
	[tilespmem:$0x1F800] =	vst v63  }
0x59: {  	_ =	swait.ge [sflag:s3], $0x1F400  }
0x5a: {  	[sflag:s3] =	ssyncset.done $0x0  }
0x5b: {  	[sflag:s3] =	ssyncadd.s32 $0xFFFE0C00  }
0x5c: {  	[tilespmem:s2], [sflag:$0x2] =	stream.linear.gather [hbm4b:s12+s2], $0x3E8, $0x38;
	[tilespmem:$0x1F800] =	vst v63  }
0x5d: {  	_ =	swait.ge [sflag:s3], $0x3E8  }
0x5e: {  	[sflag:s3] =	ssyncset.done $0x0  }
0x5f: {  	[sflag:s3] =	ssyncadd.s32 $0xFFFFFC18  }
0x60: {  	[tilespmem:s7], [sflag:$0x1] =	stream.indirect.gather [hbm4b:s5+s6], $0x80, s2, s6, $0xb8;
	[tilespmem:$0x1F800] =	vst v63  }
0x61: {  	_ =	swait.ge [sflag:s8], $0x1F400  }
0x62: {  	[sflag:s8] =	ssyncset.done $0x0  }
0x63: {  	[sflag:s8] =	ssyncadd.s32 $0xFFFE0C00  }
0x64: {  	[hbm4b:s13+s2] =	stream.linear.scatter [tilespmem:s7], [sflag:$0x2], $0x1F400, $0x38;
	[tilespmem:$0x1F800] =	vst v63  }
0x65: {  	_ =	swait.ge [sflag:s3], $0x1F400  }
0x66: {  	[sflag:s3] =	ssyncset.done $0x0  }
0x67: {  	[sflag:s3] =	ssyncadd.s32 $0xFFFE0C00  }
0x68: {  	[tilespmem:s2], [sflag:$0x2] =	stream.linear.gather [hbm4b:s14+s2], $0x3E8, $0x38;
	[tilespmem:$0x1F800] =	vst v63  }
0x69: {  	_ =	swait.ge [sflag:s3], $0x3E8  }
0x6a: {  	[sflag:s3] =	ssyncset.done $0x0  }
0x6b: {  	[sflag:s3] =	ssyncadd.s32 $0xFFFFFC18  }
0x6c: {  	[tilespmem:s7], [sflag:$0x1] =	stream.indirect.gather [hbm4b:s5+s6], $0x80, s2, s6, $0xb8;
	[tilespmem:$0x1F800] =	vst v63  }
0x6d: {  	_ =	swait.ge [sflag:s8], $0x1F400  }
0x6e: {  	[sflag:s8] =	ssyncset.done $0x0  }
0x6f: {  	[sflag:s8] =	ssyncadd.s32 $0xFFFE0C00  }
0x70: {  	[hbm4b:s15+s2] =	stream.linear.scatter [tilespmem:s7], [sflag:$0x2], $0x1F400, $0x38;
	[tilespmem:$0x1F800] =	vst v63  }
0x71: {  	_ =	swait.ge [sflag:s3], $0x1F400  }
0x72: {  	[sflag:s3] =	ssyncset.done $0x0  }
0x73: {  	[sflag:s3] =	ssyncadd.s32 $0xFFFE0C00  }
0x74: {  	[tilespmem:s2], [sflag:$0x2] =	stream.linear.gather [hbm4b:s16+s2], $0x3E8, $0x38;
	[tilespmem:$0x1F800] =	vst v63  }
0x75: {  	_ =	swait.ge [sflag:s3], $0x3E8  }
0x76: {  	[sflag:s3] =	ssyncset.done $0x0  }
0x77: {  	[sflag:s3] =	ssyncadd.s32 $0xFFFFFC18  }
0x78: {  	[tilespmem:s7], [sflag:$0x1] =	stream.indirect.gather [hbm4b:s5+s6], $0x80, s2, s6, $0xb8;
	[tilespmem:$0x1F800] =	vst v63  }
0x79: {  	_ =	swait.ge [sflag:s8], $0x1F400  }
.Ltmp1:
0x7a: {  	[sflag:s8] =	ssyncset.done $0x0;
	(pc) =	sbr.rel @p0 .LBB2_1-.Ltmp1, $4  }
0x7b: {  	[sflag:s8] =	ssyncadd.s32 $0xFFFE0C00  }
0x7c: {  	[hbm4b:s17+s2] =	stream.linear.scatter [tilespmem:s7], [sflag:$0x2], $0x1F400, $0x38;
	[tilespmem:$0x1F800] =	vst v63  }
0x7d: {  	_ =	swait.ge [sflag:s3], $0x1F400  }
0x7e: {  	[sflag:s3] =	ssyncset.done $0x0  }
.LBB2_2:
0x7f: {  	[sflag:s3] =	ssyncadd.s32 $0xFFFE0C00  }
0x80: {  	_ =	sfence.sel $0x180000  }
0x81: {  	[bflag:$0x0] =	sbarrier.arrive $0xFFFF  }
0x82: {  	p0 =	sne.s32 s0, $0x0;
	_ =	strace $0x90000050  }
0x83: {  	s0 =	sadd.s32 @!p0 $0x100000, s1;
	[bflag:$0x2] =	sbarrier.arrive $0xFFFF  }
0x84: {  	[sflag:s0] =	ssyncadd.tile.s32 @!p0 $0x1;
	_ =	shalt  }
.Lfunc_end2:
_tile_overlayer_lowered:
.L_overlay_start_2:
0x85: {  	(tag) =	ssettag $0x2  }
0x86: {  	s0 =	rddreg [dreg:$0x0];
	s2 =	stileid.u32  }
0x87: {  	s1 =	rddreg [dreg:$0x1];
	p0 =	sne.s32 s2, $0x0  }
0x88: {  	s3 =	rddreg [dreg:$0x2];
	[bflag:$0x3] =	sbarrier.arrive $0xFFFF;
	s2 =	simm.s32 @!p0 $0x1C02  }
0x89: {  	[timem:s3], [sflag:s2] =	dma.local @!p0 [hbm:s0], s1  }
0x8a: {  	s0 =	simm.s32 @!p0 $0x2  }
0x8b: {  	_ =	swait.ge @!p0 [sflag:s0], s1  }
0x8c: {  	s1 =	ssub.s32 @!p0 $0x0, s1;
	[sflag:s0] =	ssyncset.done @!p0 $0x0  }
0x8d: {  	[sflag:s0] =	ssyncadd.s32 @!p0 s1  }
0x8e: {  	[bflag:$0x3] =	sbarrier.arrive $0xFFFF  }
0x8f: {  	_ =	shalt  }

// kernel: kernel.25.cloned.1.call-start
scs
__scs_entry_jumppad:
0x0: {  	(pc) =	sbr.rel $0x88, $3  }
0x1: {  	(tag) =	ssettag $0x0;
	lr =	simm.s32 $0x1  }
0x2: {  	[smem:$0x3F86] =	sst lr;
	_ =	strace $0xD0000000  }
0x3: {  	_ = 	snop  }
0x4: {  	_ = 	snop  }
0x5: {  	_ = 	snop  }
0x6: {  	_ = 	snop  }
0x7: {  	_ = 	snop  }
__scs_overlays_trampoline_lowered:
0x8: {  	[smem:$0x3F95] =	sst s0  }
0x9: {  	[smem:$0x3F96] =	sst s1  }
0xa: {  	[smem:$0x3F97] =	sst s2  }
0xb: {  	[smem:$0x3F98] =	sst s3  }
0xc: {  	[smem:$0x3F99] =	sst s4  }
0xd: {  	[smem:$0x3F9A] =	sst s5  }
0xe: {  	[smem:$0x3F9B] =	sst s6  }
0xf: {  	[smem:$0x3F9C] =	sst s7  }
0x10: {  	[smem:$0x3F9D] =	sst s8  }
0x11: {  	[smem:$0x3F9E] =	sst s9;
	s0 =	simm.s32 @!p0 $0x0  }
0x12: {  	s1 =	sld [smem:$0x3F84];
	s0 =	simm.s32 @p0 $0x1  }
0x13: {  	[smem:$0x3F9F] =	sst s0;
	s0 =	simm.s32 @!p1 $0x0  }
0x14: {  	s2 =	sld [smem:$0x3F83];
	s0 =	simm.s32 @p1 $0x1  }
0x15: {  	[smem:$0x3FA0] =	sst s0;
	s0 =	simm.s32 @!p2 $0x0  }
0x16: {  	s3 =	sld [smem:$0x3FDB];
	s0 =	simm.s32 @p2 $0x1  }
0x17: {  	s4 =	simm.s32 $0x1BF5;
	[smem:$0x3FA2] =	sst s0  }
0x18: {  	s0 =	sld [smem:$0x3F85];
	_ =	swait.ge [sflag:s4], $0x0  }
0x19: {  	s7 =	sld [smem:$0x3F86]  }
0x1a: {  	s8 =	sadd.s32 $0xFFFFE003, lr  }
0x1b: {  	s9 =	sadd.s32 $0xFFFFFEF7, lr;
	s5 =	simm.s32 $0xFFFFFFFF;
	p2 =	slt.u32 s8, $0xFFFFF086  }
0x1c: {  	p1 =	slt.u32 s9, $0xF7A;
	s5 =	simm.s32 @!p2 $0x0  }
0x1d: {  	s5 =	simm.s32 @p1 $0x1;
	p0 =	seq.s32 s7, s2  }
0x1e: {  	s7 =	smul.u32 @!p0 $0xF7A, s2;
	p2 =	seq.s32 @!p0 s5, $0x0  }
0x1f: {  	s9 =	smul.u32 $0xF7A, s1;
	s8 =	simm.s32 @!p0 $0x1BF5;
	p2 =	por !p2, p0  }
0x20: {  	[sflag:s8] =	ssyncset.s32 @!p0 $0xFFFFF086;
	s6 =	sadd.s32 @!p0 s3, s7;
	s7 =	simm.s32 @!p0 $0x108  }
0x21: {  	s3 =	sadd.s32 s3, s9;
	s6 =	sadd.s32 @!p0 $0x88, s6;
	s7 =	simm.s32 @p2 $0x1082  }
0x22: {  	[simem:s7], [sflag:s8] =	dma.local @!p0 [hbm:s6], $0xF7A  }
0x23: {  	s9 =	sor.u32 $0xD0000000, s2;
	s6 =	simm.s32 $0x108;
	_ =	swait.ge @!p0 [sflag:s8], $0x0  }
0x24: {  	s3 =	sadd.s32 $0x88, s3;
	s6 =	simm.s32 @!p1 $0x1082;
	[sflag:s4] =	ssyncset.s32 $0xFFFFF086  }
0x25: {  	[simem:s6], [sflag:s4] =	dma.local [hbm:s3], $0xF7A  }
0x26: {  	[smem:$0x3F86] =	sst s1;
	(tag) =	ssettag s2;
	_ =	strace s9  }
0x27: {  	s1 =	sld [smem:$0x3F96]  }
0x28: {  	s2 =	sld [smem:$0x3F97]  }
0x29: {  	s4 =	sld [smem:$0x3F99]  }
0x2a: {  	p0 =	seq.s32 s5, $0x0;
	s5 =	sld [smem:$0x3F9A]  }
0x2b: {  	s6 =	sld [smem:$0x3F9B]  }
0x2c: {  	s7 =	sld [smem:$0x3F9C]  }
0x2d: {  	s3 =	simm.s32 $0x108;
	s8 =	sld [smem:$0x3F9D]  }
0x2e: {  	s3 =	simm.s32 @!p0 $0x1082;
	s9 =	sld [smem:$0x3F9E]  }
0x2f: {  	lr =	sadd.s32 s0, s3;
	s0 =	sld [smem:$0x3F95]  }
0x30: {  	s3 =	sld [smem:$0x3F98]  }
0x31: {  	[smem:$0x3FA1] =	sst s10  }
0x32: {  	s10 =	sld [smem:$0x3F9F];
	_ =	sdelay $0x3  }
0x33: {  	p0 =	seq.s32 s10, $0x1;
	s10 =	sld [smem:$0x3FA1];
	_ =	sdelay $0x3  }
0x34: {  	[smem:$0x3FA1] =	sst s10  }
0x35: {  	s10 =	sld [smem:$0x3FA0];
	_ =	sdelay $0x3  }
0x36: {  	p1 =	seq.s32 s10, $0x1;
	s10 =	sld [smem:$0x3FA1];
	_ =	sdelay $0x3  }
0x37: {  	[smem:$0x3FA1] =	sst s10  }
0x38: {  	s10 =	sld [smem:$0x3FA2]  }
0x39: {  	_ = 	snop;
	(pc) =	sbr.ind lr, $3  }
0x3a: {  	_ = 	snop  }
0x3b: {  	_ = 	snop  }
0x3c: {  	p2 =	seq.s32 s10, $0x1;
	s10 =	sld [smem:$0x3FA1]  }
0x3d: {  	_ =	shalt  }
0x3e: {  	_ =	shalt  }
0x3f: {  	_ =	shalt  }
0x40: {  	_ =	shalt  }
0x41: {  	_ =	shalt  }
0x42: {  	_ =	shalt  }
0x43: {  	_ =	shalt  }
0x44: {  	_ =	shalt  }
0x45: {  	_ =	shalt  }
0x46: {  	_ =	shalt  }
0x47: {  	_ =	shalt  }
0x48: {  	_ =	shalt  }
0x49: {  	_ =	shalt  }
0x4a: {  	_ =	shalt  }
0x4b: {  	_ =	shalt  }
0x4c: {  	_ =	shalt  }
0x4d: {  	_ =	shalt  }
0x4e: {  	_ =	shalt  }
0x4f: {  	_ =	shalt  }
0x50: {  	_ =	shalt  }
0x51: {  	_ =	shalt  }
0x52: {  	_ =	shalt  }
0x53: {  	_ =	shalt  }
0x54: {  	_ =	shalt  }
0x55: {  	_ =	shalt  }
0x56: {  	_ =	shalt  }
0x57: {  	_ =	shalt  }
0x58: {  	_ =	shalt  }
0x59: {  	_ =	shalt  }
0x5a: {  	_ =	shalt  }
0x5b: {  	_ =	shalt  }
0x5c: {  	_ =	shalt  }
0x5d: {  	_ =	shalt  }
0x5e: {  	_ =	shalt  }
0x5f: {  	_ =	shalt  }
0x60: {  	_ =	shalt  }
0x61: {  	_ =	shalt  }
0x62: {  	_ =	shalt  }
0x63: {  	_ =	shalt  }
0x64: {  	_ =	shalt  }
0x65: {  	_ =	shalt  }
0x66: {  	_ =	shalt  }
0x67: {  	_ =	shalt  }
0x68: {  	_ =	shalt  }
0x69: {  	_ =	shalt  }
0x6a: {  	_ =	shalt  }
0x6b: {  	_ =	shalt  }
0x6c: {  	_ =	shalt  }
0x6d: {  	_ =	shalt  }
0x6e: {  	_ =	shalt  }
0x6f: {  	_ =	shalt  }
0x70: {  	_ =	shalt  }
0x71: {  	_ =	shalt  }
0x72: {  	_ =	shalt  }
0x73: {  	_ =	shalt  }
0x74: {  	_ =	shalt  }
0x75: {  	_ =	shalt  }
0x76: {  	_ =	shalt  }
0x77: {  	_ =	shalt  }
0x78: {  	_ =	shalt  }
0x79: {  	_ =	shalt  }
0x7a: {  	_ =	shalt  }
0x7b: {  	_ =	shalt  }
0x7c: {  	_ =	shalt  }
0x7d: {  	_ =	shalt  }
0x7e: {  	_ =	shalt  }
0x7f: {  	_ =	shalt  }
0x80: {  	_ =	shalt  }
0x81: {  	_ =	shalt  }
0x82: {  	_ =	shalt  }
0x83: {  	_ =	shalt  }
0x84: {  	_ =	shalt  }
0x85: {  	_ =	shalt  }
0x86: {  	_ =	shalt  }
0x87: {  	_ =	shalt  }
.Lfunc_end0:
.L_simem_size_0:
called_computation.4_lowered:
.L_overlay_start_0:
0x88: {  	s2 =	sld [smem:$0x3FD9]  }
0x89: {  	s3 =	sld [smem:$0x3FFE];
	_ =	sdelay $0x1  }
0x8a: {  	s1 =	srdreg.scid  }
0x8b: {  	s0 =	sand.u32 $0x1, s1  }
0x8c: {  	s17 =	sshll.u32 s0, $0xA;
	s2 =	sadd.s32 s3, s2  }
0x8d: {  	s2 =	sadd.s32 s2, s17  }
0x8e: {  	[smem:$0x3FAD] =	sst s2  }
0x8f: {  	_ = 	snop  }
0x90: {  	(tm) =	ssettm $0x1  }
0x91: {  	s18 =	sld [smem:$0x3FFB];
	_ =	sdelay $0x3  }
0x92: {  	_ =	strace s18  }
0x93: {  	s2 =	sld [smem:$0x3FFC];
	_ =	sdelay $0x3  }
0x94: {  	_ =	strace s2  }
0x95: {  	s2 =	sld [smem:$0x3FFD];
	_ =	sdelay $0x3  }
0x96: {  	_ =	strace s2  }
0x97: {  	_ =	strace $0x8FFFFFFF  }
0x98: {  	s19 =	sld [smem:$0x3FDB];
	_ =	sdelay $0x1  }
0x99: {  	s20 =	simm.s32 $_scs_section_size  }
0x9a: {  	s4 =	simm.s32 $_size__tile_overlayer_lowered;
	s5 =	simm.s32 $_tile_overlayer_lowered  }
0x9b: {  	s6 =	simm.s32 $0x1BFF;
	s21 =	sshll.u32 s5, $0x1;
	s3 =	sadd.s32 s20, s19  }
0x9c: {  	s22 =	simm.s32 $0x0;
	s4 =	sshll.u32 s4, $0x1;
	s5 =	sadd.s32 s21, s3  }
0x9d: {  	[timem:s22], [sflag:s6] =	dma.local [hbm:s5], s4  }
0x9e: {  	_ =	swait.ge [sflag:s6], s4  }
0x9f: {  	s4 =	ssub.s32 $0x0, s4;
	[sflag:s6] =	ssyncset.done $0x0  }
0xa0: {  	[sflag:s6] =	ssyncadd.s32 s4;
	_ =	sdelay $0x1  }
0xa1: {  	s23 =	simm.s32 $0x1B8B  }
0xa2: {  	_ =	swait.ge [sflag:s23], $0x1  }
0xa3: {  	[sflag:s23] =	ssyncset.done $0x0  }
0xa4: {  	[sflag:s23] =	ssyncadd.s32 $0xFFFFFFFF  }
0xa5: {  	s4 =	sld [smem:$0x0]  }
0xa6: {  	s5 =	sand.u32 $0xFFFFFFFE, s1  }
0xa7: {  	p0 =	sne.s32 s1, s5  }
0xa8: {  	s5 =	sshll.u32 @p0 s5, $0xE  }
0xa9: {  	s5 =	sadd.s32 @p0 $0x11B8D, s5;
	s6 =	sshll.u32 @p0 s4, $0x11  }
0xaa: {  	s5 =	sor.u32 @p0 s6, s5  }
0xab: {  	[sflag:s5] =	ssyncadd.remote.s32 @p0 $0x1;
	_ =	sdelay $0x1  }
0xac: {  	s5 =	simm.s32 @p0 $0x1B8D  }
0xad: {  	_ =	swait.eq @p0 [sflag:s5], $0x1  }
0xae: {  	[sflag:s5] =	ssyncadd.s32 @p0 $0xFFFFFFFF  }
0xaf: {  	s6 =	sshll.u32 @!p0 s1, $0xE  }
0xb0: {  	s6 =	sor.u32 @!p0 $0x4000, s6;
	s5 =	simm.s32 @!p0 $0x1B8D  }
0xb1: {  	s4 =	sshll.u32 @!p0 s4, $0x11;
	s6 =	sadd.s32 @!p0 $0x11B8D, s6;
	_ =	swait.eq @!p0 [sflag:s5], $0x1  }
0xb2: {  	s4 =	sor.u32 @!p0 s4, s6;
	[sflag:s5] =	ssyncadd.s32 @!p0 $0xFFFFFFFF  }
0xb3: {  	s25 =	simm.s32 $0x1B8E;
	s24 =	sld [smem:$0x3FFE];
	[sflag:s4] =	ssyncadd.remote.s32 @!p0 $0x1  }
0xb4: {  	s26 =	simm.s32 $execute0_lowered;
	[smem:$0x3FD2] =	sst s25  }
0xb5: {  	s5 =	sshll.u32 s26, $0x1;
	_ =	strace $0x80000052;
	[dreg:$0x1] =	wrdreg $0xFFFFFFFF  }
0xb6: {  	s28 =	simm.s32 $_size_execute0_lowered;
	s3 =	sadd.s32 s3, s5;
	[dreg:$0x0] =	wrdreg $0x0  }
0xb7: {  	s5 =	sshll.u32 s28, $0x1;
	[dreg:$0x2] =	wrdreg s3  }
0xb8: {  	[dreg:$0x3] =	wrdreg s5  }
0xb9: {  	[dreg:$0x4] =	wrdreg $0xC0  }
0xba: {  	_ =	task [dreg:s22], $0x5FFFF  }
0xbb: {  	[dreg:$0x1] =	wrdreg $0xFFFFFFFF  }
0xbc: {  	[dreg:$0x0] =	wrdreg $0x60  }
0xbd: {  	[dreg:$0x2] =	wrdreg s24  }
0xbe: {  	[dreg:$0x3] =	wrdreg $0xD  }
0xbf: {  	_ =	task.clear_ibuf [dreg:s22], $0x4FFFF;
	_ =	strace $0x90000052  }
0xc0: {  	s29 =	simm.s32 $0xD;
	_ =	strace $0x80000054  }
0xc1: {  	_ =	swait.ge [sflag:s29], $0x1  }
0xc2: {  	[sflag:s29] =	ssyncadd.s32 $0xFFFFFFFF  }
0xc3: {  	_ =	strace $0x90000054  }
0xc4: {  	_ =	sfence  }
0xc5: {  	s30 =	sld [smem:$0x0];
	_ =	sdelay $0x2  }
0xc6: {  	s31 =	sshll.u32 s1, $0xD;
	s1 =	sshrl.u32 s1, $0x2  }
0xc7: {  	s4 =	sand.u32 $0x4000, s31;
	s1 =	sadd.s32 s1, s30  }
0xc8: {  	s0 =	sor.u32 s4, s0;
	s1 =	sshll.u32 s1, $0x11  }
0xc9: {  	s0 =	sor.u32 s1, s0  }
0xca: {  	s0 =	sadd.s32 $0x8F2B, s0  }
0xcb: {  	[sflag:s0] =	ssyncadd.remote.s32 $0x1  }
0xcc: {  	_ =	sfence.sel $0xFFFF  }
0xcd: {  	[dreg:$0x0] =	wrdreg $0xFFFFFFFF;
	(pc) =	sbr.abs _section_cstart, $3  }
0xce: {  	[dreg:$0x1] =	wrdreg $0xFFFFFFFF  }
0xcf: {  	_ =	task.clear_ibuf [dreg:s22], $0x2FFFF;
	_ =	strace $0x9FFFFFFF  }
0xd0: {  	(tm) =	ssettm $0x7FFFFFFF  }
0xd1: {  	_ =	shalt  }
tec
execute0_lowered:
.L_overlay_start_1:
0x0: {  	(tag) =	ssettag $0x1  }
0x1: {  	s1 =	srdreg.scid;
	s0 =	stileid.u32  }
0x2: {  	s17 =	sand.u32 $0x1, s1;
	s26 =	sshll.u32 s0, $0x1  }
0x3: {  	s9 =	sor.u32 s17, s26  }
0x4: {  	s10 =	rddreg [dreg:$0x0];
	s18 =	smul.u32 $0x1388, s9  }
0x5: {  	s2 =	simm.s32 $0x0;
	s1 =	rddreg [dreg:$0x1]  }
0x6: {  	[smem:$0x7FF] =	sst s2;
	s16 =	sadd.s32 $0x179000, s10;
	s3 =	sshrl.u32 s18, $0x3  }
0x7: {  	_ =	strace $0x80000053;
	s4 =	sadd.s32 s16, s3;
	s3 =	simm.s32 $0x2  }
0x8: {  	[tilespmem:s2], [sflag:$0x2] =	stream.linear.gather [hbm4b:s4+s2], $0x3E8, $0x38;
	[tilespmem:$0x1F800] =	vst v63  }
0x9: {  	_ =	swait.ge [sflag:s3], $0x3E8  }
0xa: {  	s6 =	simm.s32 $0x3E8;
	s7 =	simm.s32 $0x400;
	[sflag:s3] =	ssyncset.done $0x0  }
0xb: {  	s8 =	simm.s32 $0x1;
	s5 =	sadd.s32 $0x411200, s10;
	[sflag:s3] =	ssyncadd.s32 $0xFFFFFC18  }
0xc: {  	[tilespmem:s7], [sflag:$0x1] =	stream.indirect.gather [hbm4b:s5+s6], $0x80, s2, s6, $0xb8;
	[tilespmem:$0x1F800] =	vst v63  }
0xd: {  	s9 =	smul.u32 $0x13880, s9;
	_ =	swait.ge [sflag:s8], $0x1F400  }
0xe: {  	s19 =	sadd.s32 $0xE98800, s10;
	[sflag:s8] =	ssyncset.done $0x0  }
0xf: {  	s9 =	sadd.s32 s19, s9;
	[sflag:s8] =	ssyncadd.s32 $0xFFFE0C00  }
0x10: {  	[hbm4b:s9+s2] =	stream.linear.scatter [tilespmem:s7], [sflag:$0x2], $0x1F400, $0x38;
	[tilespmem:$0x1F800] =	vst v63  }
0x11: {  	s11 =	sadd.s32 $0x3E8, s18;
	_ =	swait.ge [sflag:s3], $0x1F400  }
0x12: {  	s28 =	sshrl.u32 s11, $0x3;
	[sflag:s3] =	ssyncset.done $0x0  }
0x13: {  	s10 =	sadd.s32 s16, s28;
	[sflag:s3] =	ssyncadd.s32 $0xFFFE0C00  }
0x14: {  	[tilespmem:s2], [sflag:$0x2] =	stream.linear.gather [hbm4b:s10+s2], $0x3E8, $0x38;
	[tilespmem:$0x1F800] =	vst v63  }
0x15: {  	_ =	swait.ge [sflag:s3], $0x3E8  }
0x16: {  	[sflag:s3] =	ssyncset.done $0x0  }
0x17: {  	[sflag:s3] =	ssyncadd.s32 $0xFFFFFC18  }
0x18: {  	[tilespmem:s7], [sflag:$0x1] =	stream.indirect.gather [hbm4b:s5+s6], $0x80, s2, s6, $0xb8;
	[tilespmem:$0x1F800] =	vst v63  }
0x19: {  	_ =	swait.ge [sflag:s8], $0x1F400  }
0x1a: {  	s11 =	sshll.u32 s11, $0x4;
	[sflag:s8] =	ssyncset.done $0x0  }
0x1b: {  	s11 =	sadd.s32 s19, s11;
	[sflag:s8] =	ssyncadd.s32 $0xFFFE0C00  }
0x1c: {  	[hbm4b:s11+s2] =	stream.linear.scatter [tilespmem:s7], [sflag:$0x2], $0x1F400, $0x38;
	[tilespmem:$0x1F800] =	vst v63  }
0x1d: {  	s13 =	sadd.s32 $0x7D0, s18;
	_ =	swait.ge [sflag:s3], $0x1F400  }
0x1e: {  	s12 =	sshrl.u32 s13, $0x3;
	[sflag:s3] =	ssyncset.done $0x0  }
0x1f: {  	s12 =	sadd.s32 s16, s12;
	[sflag:s3] =	ssyncadd.s32 $0xFFFE0C00  }
0x20: {  	[tilespmem:s2], [sflag:$0x2] =	stream.linear.gather [hbm4b:s12+s2], $0x3E8, $0x38;
	[tilespmem:$0x1F800] =	vst v63  }
0x21: {  	_ =	swait.ge [sflag:s3], $0x3E8  }
0x22: {  	[sflag:s3] =	ssyncset.done $0x0  }
0x23: {  	[sflag:s3] =	ssyncadd.s32 $0xFFFFFC18  }
0x24: {  	[tilespmem:s7], [sflag:$0x1] =	stream.indirect.gather [hbm4b:s5+s6], $0x80, s2, s6, $0xb8;
	[tilespmem:$0x1F800] =	vst v63  }
0x25: {  	_ =	swait.ge [sflag:s8], $0x1F400  }
0x26: {  	s13 =	sshll.u32 s13, $0x4;
	[sflag:s8] =	ssyncset.done $0x0  }
0x27: {  	s13 =	sadd.s32 s19, s13;
	[sflag:s8] =	ssyncadd.s32 $0xFFFE0C00  }
0x28: {  	[hbm4b:s13+s2] =	stream.linear.scatter [tilespmem:s7], [sflag:$0x2], $0x1F400, $0x38;
	[tilespmem:$0x1F800] =	vst v63  }
0x29: {  	s15 =	sadd.s32 $0xBB8, s18;
	_ =	swait.ge [sflag:s3], $0x1F400  }
0x2a: {  	s14 =	sshrl.u32 s15, $0x3;
	[sflag:s3] =	ssyncset.done $0x0  }
0x2b: {  	s14 =	sadd.s32 s16, s14;
	[sflag:s3] =	ssyncadd.s32 $0xFFFE0C00  }
0x2c: {  	[tilespmem:s2], [sflag:$0x2] =	stream.linear.gather [hbm4b:s14+s2], $0x3E8, $0x38;
	[tilespmem:$0x1F800] =	vst v63  }
0x2d: {  	_ =	swait.ge [sflag:s3], $0x3E8  }
0x2e: {  	[sflag:s3] =	ssyncset.done $0x0  }
0x2f: {  	[sflag:s3] =	ssyncadd.s32 $0xFFFFFC18  }
0x30: {  	[tilespmem:s7], [sflag:$0x1] =	stream.indirect.gather [hbm4b:s5+s6], $0x80, s2, s6, $0xb8;
	[tilespmem:$0x1F800] =	vst v63  }
0x31: {  	_ =	swait.ge [sflag:s8], $0x1F400  }
0x32: {  	s15 =	sshll.u32 s15, $0x4;
	[sflag:s8] =	ssyncset.done $0x0  }
0x33: {  	s15 =	sadd.s32 s19, s15;
	[sflag:s8] =	ssyncadd.s32 $0xFFFE0C00  }
0x34: {  	[hbm4b:s15+s2] =	stream.linear.scatter [tilespmem:s7], [sflag:$0x2], $0x1F400, $0x38;
	[tilespmem:$0x1F800] =	vst v63  }
0x35: {  	s18 =	sadd.s32 $0xFA0, s18;
	_ =	swait.ge [sflag:s3], $0x1F400  }
0x36: {  	s20 =	sshrl.u32 s18, $0x3;
	[sflag:s3] =	ssyncset.done $0x0  }
0x37: {  	s17 =	ssub.s32 $0x2, s17;
	s16 =	sadd.s32 s16, s20;
	[sflag:s3] =	ssyncadd.s32 $0xFFFE0C00  }
0x38: {  	[tilespmem:s2], [sflag:$0x2] =	stream.linear.gather [hbm4b:s16+s2], $0x3E8, $0x38;
	[tilespmem:$0x1F800] =	vst v63  }
0x39: {  	s29 =	sshrl.u32 s17, $0x1;
	_ =	swait.ge [sflag:s3], $0x3E8  }
0x3a: {  	s20 =	ssub.s32 s17, s29;
	[sflag:s3] =	ssyncset.done $0x0  }
0x3b: {  	s31 =	smax.u32 s20, $0x1;
	[sflag:s3] =	ssyncadd.s32 $0xFFFFFC18  }
0x3c: {  	[tilespmem:s7], [sflag:$0x1] =	stream.indirect.gather [hbm4b:s5+s6], $0x80, s2, s6, $0xb8;
	[tilespmem:$0x1F800] =	vst v63  }
0x3d: {  	p0 =	sne.s32 s31, $0x1;
	_ =	swait.ge [sflag:s8], $0x1F400  }
.Ltmp0:
0x3e: {  	s30 =	sshll.u32 s18, $0x4;
	[sflag:s8] =	ssyncset.done $0x0;
	(pc) =	sbr.rel @!p0 .LBB2_2-.Ltmp0, $4  }
0x3f: {  	s17 =	sadd.s32 s19, s30;
	[sflag:s8] =	ssyncadd.s32 $0xFFFE0C00  }
0x40: {  	[hbm4b:s17+s2] =	stream.linear.scatter [tilespmem:s7], [sflag:$0x2], $0x1F400, $0x38;
	[tilespmem:$0x1F800] =	vst v63  }
0x41: {  	_ =	swait.ge [sflag:s3], $0x1F400  }
0x42: {  	s18 =	sadd.s32 $0xFFFFFFFF, s31;
	[sflag:s3] =	ssyncset.done $0x0  }
.LBB2_1:
0x43: {  	p0 =	sne.s32 s18, $0x1;
	s18 =	sadd.s32 $0xFFFFFFFF, s18;
	[sflag:s3] =	ssyncadd.s32 $0xFFFE0C00  }
0x44: {  	[tilespmem:s2], [sflag:$0x2] =	stream.linear.gather [hbm4b:s4+s2], $0x3E8, $0x38;
	[tilespmem:$0x1F800] =	vst v63  }
0x45: {  	_ =	swait.ge [sflag:s3], $0x3E8  }
0x46: {  	[sflag:s3] =	ssyncset.done $0x0  }
0x47: {  	[sflag:s3] =	ssyncadd.s32 $0xFFFFFC18  }
0x48: {  	[tilespmem:s7], [sflag:$0x1] =	stream.indirect.gather [hbm4b:s5+s6], $0x80, s2, s6, $0xb8;
	[tilespmem:$0x1F800] =	vst v63  }
0x49: {  	_ =	swait.ge [sflag:s8], $0x1F400  }
0x4a: {  	[sflag:s8] =	ssyncset.done $0x0  }
0x4b: {  	[sflag:s8] =	ssyncadd.s32 $0xFFFE0C00  }
0x4c: {  	[hbm4b:s9+s2] =	stream.linear.scatter [tilespmem:s7], [sflag:$0x2], $0x1F400, $0x38;
	[tilespmem:$0x1F800] =	vst v63  }
0x4d: {  	_ =	swait.ge [sflag:s3], $0x1F400  }
0x4e: {  	[sflag:s3] =	ssyncset.done $0x0  }
0x4f: {  	[sflag:s3] =	ssyncadd.s32 $0xFFFE0C00  }
0x50: {  	[tilespmem:s2], [sflag:$0x2] =	stream.linear.gather [hbm4b:s10+s2], $0x3E8, $0x38;
	[tilespmem:$0x1F800] =	vst v63  }
0x51: {  	_ =	swait.ge [sflag:s3], $0x3E8  }
0x52: {  	[sflag:s3] =	ssyncset.done $0x0  }
0x53: {  	[sflag:s3] =	ssyncadd.s32 $0xFFFFFC18  }
0x54: {  	[tilespmem:s7], [sflag:$0x1] =	stream.indirect.gather [hbm4b:s5+s6], $0x80, s2, s6, $0xb8;
	[tilespmem:$0x1F800] =	vst v63  }
0x55: {  	_ =	swait.ge [sflag:s8], $0x1F400  }
0x56: {  	[sflag:s8] =	ssyncset.done $0x0  }
0x57: {  	[sflag:s8] =	ssyncadd.s32 $0xFFFE0C00  }
0x58: {  	[hbm4b:s11+s2] =	stream.linear.scatter [tilespmem:s7], [sflag:$0x2], $0x1F400, $0x38;
	[tilespmem:$0x1F800] =	vst v63  }
0x59: {  	_ =	swait.ge [sflag:s3], $0x1F400  }
0x5a: {  	[sflag:s3] =	ssyncset.done $0x0  }
0x5b: {  	[sflag:s3] =	ssyncadd.s32 $0xFFFE0C00  }
0x5c: {  	[tilespmem:s2], [sflag:$0x2] =	stream.linear.gather [hbm4b:s12+s2], $0x3E8, $0x38;
	[tilespmem:$0x1F800] =	vst v63  }
0x5d: {  	_ =	swait.ge [sflag:s3], $0x3E8  }
0x5e: {  	[sflag:s3] =	ssyncset.done $0x0  }
0x5f: {  	[sflag:s3] =	ssyncadd.s32 $0xFFFFFC18  }
0x60: {  	[tilespmem:s7], [sflag:$0x1] =	stream.indirect.gather [hbm4b:s5+s6], $0x80, s2, s6, $0xb8;
	[tilespmem:$0x1F800] =	vst v63  }
0x61: {  	_ =	swait.ge [sflag:s8], $0x1F400  }
0x62: {  	[sflag:s8] =	ssyncset.done $0x0  }
0x63: {  	[sflag:s8] =	ssyncadd.s32 $0xFFFE0C00  }
0x64: {  	[hbm4b:s13+s2] =	stream.linear.scatter [tilespmem:s7], [sflag:$0x2], $0x1F400, $0x38;
	[tilespmem:$0x1F800] =	vst v63  }
0x65: {  	_ =	swait.ge [sflag:s3], $0x1F400  }
0x66: {  	[sflag:s3] =	ssyncset.done $0x0  }
0x67: {  	[sflag:s3] =	ssyncadd.s32 $0xFFFE0C00  }
0x68: {  	[tilespmem:s2], [sflag:$0x2] =	stream.linear.gather [hbm4b:s14+s2], $0x3E8, $0x38;
	[tilespmem:$0x1F800] =	vst v63  }
0x69: {  	_ =	swait.ge [sflag:s3], $0x3E8  }
0x6a: {  	[sflag:s3] =	ssyncset.done $0x0  }
0x6b: {  	[sflag:s3] =	ssyncadd.s32 $0xFFFFFC18  }
0x6c: {  	[tilespmem:s7], [sflag:$0x1] =	stream.indirect.gather [hbm4b:s5+s6], $0x80, s2, s6, $0xb8;
	[tilespmem:$0x1F800] =	vst v63  }
0x6d: {  	_ =	swait.ge [sflag:s8], $0x1F400  }
0x6e: {  	[sflag:s8] =	ssyncset.done $0x0  }
0x6f: {  	[sflag:s8] =	ssyncadd.s32 $0xFFFE0C00  }
0x70: {  	[hbm4b:s15+s2] =	stream.linear.scatter [tilespmem:s7], [sflag:$0x2], $0x1F400, $0x38;
	[tilespmem:$0x1F800] =	vst v63  }
0x71: {  	_ =	swait.ge [sflag:s3], $0x1F400  }
0x72: {  	[sflag:s3] =	ssyncset.done $0x0  }
0x73: {  	[sflag:s3] =	ssyncadd.s32 $0xFFFE0C00  }
0x74: {  	[tilespmem:s2], [sflag:$0x2] =	stream.linear.gather [hbm4b:s16+s2], $0x3E8, $0x38;
	[tilespmem:$0x1F800] =	vst v63  }
0x75: {  	_ =	swait.ge [sflag:s3], $0x3E8  }
0x76: {  	[sflag:s3] =	ssyncset.done $0x0  }
0x77: {  	[sflag:s3] =	ssyncadd.s32 $0xFFFFFC18  }
0x78: {  	[tilespmem:s7], [sflag:$0x1] =	stream.indirect.gather [hbm4b:s5+s6], $0x80, s2, s6, $0xb8;
	[tilespmem:$0x1F800] =	vst v63  }
0x79: {  	_ =	swait.ge [sflag:s8], $0x1F400  }
.Ltmp1:
0x7a: {  	[sflag:s8] =	ssyncset.done $0x0;
	(pc) =	sbr.rel @p0 .LBB2_1-.Ltmp1, $4  }
0x7b: {  	[sflag:s8] =	ssyncadd.s32 $0xFFFE0C00  }
0x7c: {  	[hbm4b:s17+s2] =	stream.linear.scatter [tilespmem:s7], [sflag:$0x2], $0x1F400, $0x38;
	[tilespmem:$0x1F800] =	vst v63  }
0x7d: {  	_ =	swait.ge [sflag:s3], $0x1F400  }
0x7e: {  	[sflag:s3] =	ssyncset.done $0x0  }
.LBB2_2:
0x7f: {  	[sflag:s3] =	ssyncadd.s32 $0xFFFE0C00  }
0x80: {  	_ =	sfence.sel $0x180000  }
0x81: {  	[bflag:$0x0] =	sbarrier.arrive $0xFFFF  }
0x82: {  	p0 =	sne.s32 s0, $0x0;
	_ =	strace $0x90000053  }
0x83: {  	s0 =	sadd.s32 @!p0 $0x100000, s1;
	[bflag:$0x2] =	sbarrier.arrive $0xFFFF  }
0x84: {  	[sflag:s0] =	ssyncadd.tile.s32 @!p0 $0x1;
	_ =	shalt  }
.Lfunc_end2:
_tile_overlayer_lowered:
.L_overlay_start_2:
0x85: {  	(tag) =	ssettag $0x2  }
0x86: {  	s0 =	rddreg [dreg:$0x0];
	s2 =	stileid.u32  }
0x87: {  	s1 =	rddreg [dreg:$0x1];
	p0 =	sne.s32 s2, $0x0  }
0x88: {  	s3 =	rddreg [dreg:$0x2];
	[bflag:$0x3] =	sbarrier.arrive $0xFFFF;
	s2 =	simm.s32 @!p0 $0x1C02  }
0x89: {  	[timem:s3], [sflag:s2] =	dma.local @!p0 [hbm:s0], s1  }
0x8a: {  	s0 =	simm.s32 @!p0 $0x2  }
0x8b: {  	_ =	swait.ge @!p0 [sflag:s0], s1  }
0x8c: {  	s1 =	ssub.s32 @!p0 $0x0, s1;
	[sflag:s0] =	ssyncset.done @!p0 $0x0  }
0x8d: {  	[sflag:s0] =	ssyncadd.s32 @!p0 s1  }
0x8e: {  	[bflag:$0x3] =	sbarrier.arrive $0xFFFF  }
0x8f: {  	_ =	shalt  }

</sc_bundles>
